<compile_context>
chip_gen: v7x
topology: tpu7x:2x2x1
jax: 0.10.2.dev20260603
libtpu: 0.0.44.dev20260713+nightly
codegen_flags: <defaults>
</compile_context>

<pallas_src>
import functools

import jax
import jax.numpy as jnp
import numpy as np
from jax import lax
from jax.experimental import pallas as pl
from jax.experimental.pallas import tpu as pltpu
from jax.experimental.pallas import tpu_sc as plsc

N_NODES = 10000
D_IN = 128
HIDDEN = 64
N_EDGES = 320000

NC = 2
NS = 16
NW = NC * NS
CHUNK = 128
NBUF = 2
CH_PER_TILE = 80
N_CHUNKS = NW * CH_PER_TILE
E_PAD = N_CHUNKS * CHUNK
ROWS_PER_TILE = 632
ACC_ROWS = NS * ROWS_PER_TILE
CNT_W = 4
ZPK = HIDDEN // 2
Z_ROWS = N_NODES
Z_RPT = Z_ROWS // NS

_SIGMA = np.concatenate([
    np.arange(16) * 2,
    np.arange(16) * 2 + 1,
    np.arange(16) * 2 + 32,
    np.arange(16) * 2 + 33,
])
_INV_SIGMA = np.argsort(_SIGMA)


def _proj_body(x_ref, w_ref, z_ref):
    z_ref[...] = lax.dot_general(
        x_ref[...], w_ref[...], (((1,), (1,)), ((), ())),
        preferred_element_type=jnp.float32).astype(jnp.bfloat16)


def _post_body(acc_ref, cnt_ref, x_ref, wr_ref, bl_ref, wh_ref, bh_ref, y_ref):
    agg = acc_ref[0, :N_NODES, :] + acc_ref[1, :N_NODES, :]
    cnt_row = jnp.sum(cnt_ref[...], axis=0, keepdims=True)
    cnt = jnp.transpose(cnt_row)[:N_NODES]
    cnt = jnp.maximum(cnt, 1.0)
    xr = lax.dot_general(
        x_ref[...], wr_ref[...], (((1,), (1,)), ((), ())),
        preferred_element_type=jnp.float32)
    conv = agg / cnt + bl_ref[...] + xr
    h = jnp.maximum(conv, 0.0)
    y = lax.dot_general(
        h, wh_ref[...], (((1,), (0,)), ((), ())),
        preferred_element_type=jnp.float32)
    y_ref[...] = y + bh_ref[0, 0]


def _sc_body(z_hbm, src_hbm, dst_hbm, zrow_hbm, zcnt_hbm,
             acc_out, cnt_out,
             src_v, dst_v, ga, gb, fa, fb,
             cnt_tile, z_sh, acc_sh,
             sem_ga, sem_gb, sem_sa, sem_sb):
    cid = lax.axis_index("c")
    sid = lax.axis_index("s")
    wid = sid * NC + cid
    base = sid * ROWS_PER_TILE

    gbufs = [ga, gb]
    fbufs = [fa, fb]
    gsems = [sem_ga, sem_gb]
    ssems = [sem_sa, sem_sb]

    pltpu.sync_copy(z_hbm.at[pl.ds(sid * Z_RPT, Z_RPT)],
                    z_sh.at[pl.ds(sid * Z_RPT, Z_RPT)])
    pltpu.sync_copy(zrow_hbm, acc_sh.at[pl.ds(base, ROWS_PER_TILE)])
    pltpu.sync_copy(zcnt_hbm, cnt_tile)
    pltpu.sync_copy(src_hbm.at[wid], src_v)
    pltpu.sync_copy(dst_hbm.at[wid], dst_v)
    plsc.subcore_barrier()

    for b in range(NBUF):
        pltpu.async_copy(z_sh.at[src_v.at[b]], gbufs[b], gsems[b])
    outer = CH_PER_TILE // NBUF
    himask = jnp.int32(-65536)

    def convert(gbuf, fbuf):
        def rows(r4, carry):
            for dr in range(4):
                r = r4 * 4 + dr
                for h in range(2):
                    w = gbuf[r, pl.ds(h * 16, 16)]
                    lo = plsc.bitcast(w << 16, jnp.float32)
                    hi = plsc.bitcast(w & himask, jnp.float32)
                    fbuf[r, pl.ds(h * 32, 16)] = lo
                    fbuf[r, pl.ds(h * 32 + 16, 16)] = hi
            return carry
        lax.fori_loop(0, CHUNK // 4, rows, 0)

    def body(o, carry):
        for b in range(NBUF):
            j = o * NBUF + b
            @pl.when(o > 0)
            def _():
                pltpu.make_async_copy(fbufs[b], acc_sh.at[dst_v.at[j]],
                                      ssems[b]).wait()
            pltpu.make_async_copy(z_sh.at[src_v.at[j]], gbufs[b],
                                  gsems[b]).wait()
            convert(gbufs[b], fbufs[b])
            @pl.when(o < outer - 1)
            def _():
                pltpu.async_copy(z_sh.at[src_v.at[j + NBUF]], gbufs[b],
                                 gsems[b])
            pltpu.async_copy(fbufs[b], acc_sh.at[dst_v.at[j]], ssems[b],
                             add=True)
            for k in range(CHUNK // 16):
                idx = dst_v[j, pl.ds(k * 16, 16)]
                plsc.addupdate_scatter(
                    cnt_tile, [idx], jnp.full((16,), 1.0, jnp.float32))
        return carry

    lax.fori_loop(0, outer, body, 0)

    for b in range(NBUF):
        j = CH_PER_TILE - NBUF + b
        pltpu.make_async_copy(fbufs[b], acc_sh.at[dst_v.at[j]],
                              ssems[b]).wait()
    plsc.subcore_barrier()

    pltpu.sync_copy(acc_sh.at[pl.ds(base, ROWS_PER_TILE)],
                    acc_out.at[cid, pl.ds(base, ROWS_PER_TILE)])
    pltpu.sync_copy(cnt_tile, cnt_out.at[wid])


_sc_segment_sum = functools.partial(
    pl.kernel,
    out_type=(
        jax.ShapeDtypeStruct((NC, ACC_ROWS, HIDDEN), jnp.float32),
        jax.ShapeDtypeStruct((NW, ACC_ROWS), jnp.float32),
    ),
    mesh=plsc.VectorSubcoreMesh(core_axis_name="c", subcore_axis_name="s"),
    compiler_params=pltpu.CompilerParams(
        use_tc_tiling_on_sc=False, needs_layout_passes=False),
    scratch_types=[
        pltpu.VMEM((CH_PER_TILE, CHUNK), jnp.int32),
        pltpu.VMEM((CH_PER_TILE, CHUNK), jnp.int32),
        pltpu.VMEM((CHUNK, ZPK), jnp.int32),
        pltpu.VMEM((CHUNK, ZPK), jnp.int32),
        pltpu.VMEM((CHUNK, HIDDEN), jnp.float32),
        pltpu.VMEM((CHUNK, HIDDEN), jnp.float32),
        pltpu.VMEM((ACC_ROWS,), jnp.float32),
        pltpu.VMEM_SHARED((Z_ROWS, ZPK), jnp.int32),
        pltpu.VMEM_SHARED((ACC_ROWS, HIDDEN), jnp.float32),
        pltpu.SemaphoreType.DMA,
        pltpu.SemaphoreType.DMA,
        pltpu.SemaphoreType.DMA,
        pltpu.SemaphoreType.DMA,
    ],
)(_sc_body)


@jax.jit
def kernel(x, edge_index, W_l, b_l, W_r, W_head, b_head):
    src = edge_index[0].astype(jnp.int32)
    dst = edge_index[1].astype(jnp.int32)
    pad = E_PAD - N_EDGES
    src_p = jnp.concatenate([src, jnp.zeros((pad,), jnp.int32)])
    dst_p = jnp.concatenate([dst, jnp.full((pad,), N_NODES, jnp.int32)])
    src_r = src_p.reshape(NW, CH_PER_TILE, CHUNK)
    dst_r = dst_p.reshape(NW, CH_PER_TILE, CHUNK)

    w_perm = W_l[jnp.asarray(_INV_SIGMA)]
    z16 = pl.pallas_call(
        _proj_body,
        out_shape=jax.ShapeDtypeStruct((Z_ROWS, HIDDEN), jnp.bfloat16),
    )(x, w_perm)
    z_packed = lax.bitcast_convert_type(
        z16.reshape(Z_ROWS, ZPK, 2), jnp.int32)

    zrow = jnp.zeros((ROWS_PER_TILE, HIDDEN), jnp.float32)
    zcnt = jnp.zeros((ACC_ROWS,), jnp.float32)
    acc, cnt = _sc_segment_sum(z_packed, src_r, dst_r, zrow, zcnt)

    y = pl.pallas_call(
        _post_body,
        in_specs=[
            pl.BlockSpec(memory_space=pltpu.VMEM),
            pl.BlockSpec(memory_space=pltpu.VMEM),
            pl.BlockSpec(memory_space=pltpu.VMEM),
            pl.BlockSpec(memory_space=pltpu.VMEM),
            pl.BlockSpec(memory_space=pltpu.VMEM),
            pl.BlockSpec(memory_space=pltpu.VMEM),
            pl.BlockSpec(memory_space=pltpu.SMEM),
        ],
        out_shape=jax.ShapeDtypeStruct((N_NODES, 1), jnp.float32),
    )(acc, cnt, x, W_r, b_l.reshape(1, HIDDEN), W_head.reshape(HIDDEN, 1),
      b_head.reshape(1, 1))
    return jnp.squeeze(y, axis=-1)

# --- scband reference (transcript-rebuilt; emitter-appended) ---
"""Pipeline reference for scband-sagereg-46883863003259 (READ-ONLY COPY).

The authoritative reference and input builder live on the scoring server;
editing this copy changes nothing except your own understanding.
"""

import jax, jax.numpy as jnp
import numpy as np

N_NODES = 10000
D_IN = 128
HIDDEN = 64
N_EDGES = 320000

def setup_inputs(seed: int = 0) -> dict:
    key = jax.random.key(seed)
    k1, k2, k3, k4, k5, k6, k7 = jax.random.split(key, 7)
    x = jax.random.normal(k1, (N_NODES, D_IN), dtype=jnp.float32)
    edge_index = jax.random.randint(k2, (2, N_EDGES), 0, N_NODES, dtype=jnp.int64)
    s = 1.0 / np.sqrt(D_IN)
    W_l = jax.random.uniform(k3, (HIDDEN, D_IN), minval=-s, maxval=s, dtype=jnp.float32)
    b_l = jax.random.uniform(k4, (HIDDEN,), minval=-s, maxval=s, dtype=jnp.float32)
    W_r = jax.random.uniform(k5, (HIDDEN, D_IN), minval=-s, maxval=s, dtype=jnp.float32)
    sh = 1.0 / np.sqrt(HIDDEN)
    W_head = jax.random.uniform(k6, (1, HIDDEN), minval=-sh, maxval=sh, dtype=jnp.float32)
    b_head = jax.random.uniform(k7, (1,), minval=-sh, maxval=sh, dtype=jnp.float32)
    return {"x": x, "edge_index": edge_index, "W_l": W_l, "b_l": b_l, "W_r": W_r, "W_head": W_head, "b_head": b_head}

def reference(x, edge_index, W_l, b_l, W_r, W_head, b_head):
    # SAGEConv with mean aggregation: out = lin_l(mean_j x_j) + lin_r(x_i)
    src = edge_index[0]
    dst = edge_index[1]
    n = x.shape[0]
    msgs = jnp.take(x, src, axis=0)
    agg = jax.ops.segment_sum(msgs, dst, num_segments=n)
    cnt = jax.ops.segment_sum(jnp.ones((msgs.shape[0],), dtype=x.dtype), dst, num_segments=n)
    cnt = jnp.clip(cnt, 1.0, None)[:, None]
    mean_agg = agg / cnt
    conv = mean_agg @ W_l.T + b_l + x @ W_r.T
    h = jnp.maximum(conv, 0.0)
    y = h @ W_head.T + b_head
    return jnp.squeeze(y, axis=-1)

if __name__ == "__main__":
    import jax
    _d = setup_inputs()
    print(jax.jit(kernel)(*tuple(_d.values())))

</pallas_src>

<mosaic_0001>
#map = affine_map<(d0, d1) -> (0, 0)>
#map1 = affine_map<(d0, d1) -> (0, 0, 0)>
#map2 = affine_map<(d0, d1) -> (0)>
module attributes {stable_mosaic.version = 14 : i64} {
  func.func @_sc_body(%arg0: i32, %arg1: i32, %arg2: memref<10000x32xi32, #tpu.memory_space<hbm>>, %arg3: memref<32x80x128xi32, #tpu.memory_space<hbm>>, %arg4: memref<32x80x128xi32, #tpu.memory_space<hbm>>, %arg5: memref<632x64xf32, #tpu.memory_space<hbm>>, %arg6: memref<10112xf32, #tpu.memory_space<hbm>>, %arg7: memref<2x10112x64xf32, #tpu.memory_space<hbm>>, %arg8: memref<32x10112xf32, #tpu.memory_space<hbm>>, %arg9: memref<80x128xi32, #tpu.memory_space<vmem>>, %arg10: memref<80x128xi32, #tpu.memory_space<vmem>>, %arg11: memref<128x32xi32, #tpu.memory_space<vmem>>, %arg12: memref<128x32xi32, #tpu.memory_space<vmem>>, %arg13: memref<128x64xf32, #tpu.memory_space<vmem>>, %arg14: memref<128x64xf32, #tpu.memory_space<vmem>>, %arg15: memref<10112xf32, #tpu.memory_space<vmem>>, %arg16: memref<10000x32xi32, #tpu.memory_space<vmem_shared>>, %arg17: memref<10112x64xf32, #tpu.memory_space<vmem_shared>>, %arg18: memref<!tpu.dma_semaphore, #tpu.memory_space<semaphore_mem>>, %arg19: memref<!tpu.dma_semaphore, #tpu.memory_space<semaphore_mem>>, %arg20: memref<!tpu.dma_semaphore, #tpu.memory_space<semaphore_mem>>, %arg21: memref<!tpu.dma_semaphore, #tpu.memory_space<semaphore_mem>>) attributes {dimension_semantics = [#tpu.dimension_semantics<core_parallel>, #tpu.dimension_semantics<subcore_parallel>], iteration_bounds = array<i64: 2, 16>, scalar_prefetch = 0 : i64, scratch_operands = 13 : i64, tpu.core_type = #tpu.core_type<sc_vector_subcore>, window_params = [{transform_indices = #map}, {transform_indices = #map1}, {transform_indices = #map1}, {transform_indices = #map}, {transform_indices = #map2}, {transform_indices = #map1}, {transform_indices = #map}]} {
    %mul3A = arith.constant 2 : i32
    %mul3A_0 = arith.muli %arg1, %mul3A : i32
    %add3A = arith.addi %mul3A_0, %arg0 : i32
    %mul3A_1 = arith.constant 632 : i32
    %mul3A_2 = arith.muli %arg1, %mul3A_1 : i32
    %mul3A_3 = arith.constant 625 : i32
    %mul3A_4 = arith.muli %arg1, %mul3A_3 : i32
    %mul3A_5 = arith.constant 625 : i32
    %mul3A_6 = arith.muli %arg1, %mul3A_5 : i32
    "tpu.region"() ({
      %run_scoped3A = tpu.sem_alloc : memref<!tpu.dma_semaphore, #tpu.memory_space<semaphore_mem>>
      %dma_start3A_40 = arith.constant 0 : i32
      %dma_start3A_41 = tpu.memref_slice %arg16[%mul3A_6, %dma_start3A_40] : memref<10000x32xi32, #tpu.memory_space<vmem_shared>> -> memref<625x32xi32, #tpu.memory_space<vmem_shared>>
      %dma_start3A_42 = arith.constant 0 : i32
      %dma_start3A_43 = tpu.memref_slice %arg2[%mul3A_4, %dma_start3A_42] : memref<10000x32xi32, #tpu.memory_space<hbm>> -> memref<625x32xi32, #tpu.memory_space<hbm>>
      tpu.enqueue_dma source(%dma_start3A_43 : memref<625x32xi32, #tpu.memory_space<hbm>>) target(%dma_start3A_41 : memref<625x32xi32, #tpu.memory_space<vmem_shared>>) target_semaphore(%run_scoped3A : memref<!tpu.dma_semaphore, #tpu.memory_space<semaphore_mem>>)
      %dma_wait3A_44 = arith.constant 0 : i32
      %dma_wait3A_45 = tpu.memref_slice %arg16[%mul3A_6, %dma_wait3A_44] : memref<10000x32xi32, #tpu.memory_space<vmem_shared>> -> memref<625x32xi32, #tpu.memory_space<vmem_shared>>
      %dma_wait3A_46 = arith.constant 0 : i32
      %dma_wait3A_47 = tpu.memref_slice %arg2[%mul3A_4, %dma_wait3A_46] : memref<10000x32xi32, #tpu.memory_space<hbm>> -> memref<625x32xi32, #tpu.memory_space<hbm>>
      tpu.wait_dma2 semaphore(%run_scoped3A : memref<!tpu.dma_semaphore, #tpu.memory_space<semaphore_mem>>) src(%dma_wait3A_47 : memref<625x32xi32, #tpu.memory_space<hbm>>) dst(%dma_wait3A_45 : memref<625x32xi32, #tpu.memory_space<vmem_shared>>)
      tpu.yield
    }) : () -> ()
    "tpu.region"() ({
      %run_scoped3A = tpu.sem_alloc : memref<!tpu.dma_semaphore, #tpu.memory_space<semaphore_mem>>
      %dma_start3A_40 = arith.constant 0 : i32
      %dma_start3A_41 = tpu.memref_slice %arg17[%mul3A_2, %dma_start3A_40] : memref<10112x64xf32, #tpu.memory_space<vmem_shared>> -> memref<632x64xf32, #tpu.memory_space<vmem_shared>>
      tpu.enqueue_dma source(%arg5 : memref<632x64xf32, #tpu.memory_space<hbm>>) target(%dma_start3A_41 : memref<632x64xf32, #tpu.memory_space<vmem_shared>>) target_semaphore(%run_scoped3A : memref<!tpu.dma_semaphore, #tpu.memory_space<semaphore_mem>>)
      %dma_wait3A_42 = arith.constant 0 : i32
      %dma_wait3A_43 = tpu.memref_slice %arg17[%mul3A_2, %dma_wait3A_42] : memref<10112x64xf32, #tpu.memory_space<vmem_shared>> -> memref<632x64xf32, #tpu.memory_space<vmem_shared>>
      tpu.wait_dma2 semaphore(%run_scoped3A : memref<!tpu.dma_semaphore, #tpu.memory_space<semaphore_mem>>) src(%arg5 : memref<632x64xf32, #tpu.memory_space<hbm>>) dst(%dma_wait3A_43 : memref<632x64xf32, #tpu.memory_space<vmem_shared>>)
      tpu.yield
    }) : () -> ()
    "tpu.region"() ({
      %run_scoped3A = tpu.sem_alloc : memref<!tpu.dma_semaphore, #tpu.memory_space<semaphore_mem>>
      tpu.enqueue_dma source(%arg6 : memref<10112xf32, #tpu.memory_space<hbm>>) target(%arg15 : memref<10112xf32, #tpu.memory_space<vmem>>) target_semaphore(%run_scoped3A : memref<!tpu.dma_semaphore, #tpu.memory_space<semaphore_mem>>)
      tpu.wait_dma2 semaphore(%run_scoped3A : memref<!tpu.dma_semaphore, #tpu.memory_space<semaphore_mem>>) src(%arg6 : memref<10112xf32, #tpu.memory_space<hbm>>) dst(%arg15 : memref<10112xf32, #tpu.memory_space<vmem>>)
      tpu.yield
    }) : () -> ()
    "tpu.region"() ({
      %run_scoped3A = tpu.sem_alloc : memref<!tpu.dma_semaphore, #tpu.memory_space<semaphore_mem>>
      %dma_start3A_40 = arith.constant 0 : i32
      %dma_start3A_41 = arith.constant 0 : i32
      %dma_start3A_42 = tpu.memref_slice %arg3[%add3A, %dma_start3A_40, %dma_start3A_41] : memref<32x80x128xi32, #tpu.memory_space<hbm>> -> memref<1x80x128xi32, #tpu.memory_space<hbm>>
      %dma_start3A_43 = tpu.memref_squeeze %dma_start3A_42 : memref<1x80x128xi32, #tpu.memory_space<hbm>> -> memref<80x128xi32, #tpu.memory_space<hbm>>
      %dma_start3A_44 = arith.constant 0 : i32
      %dma_start3A_45 = arith.constant 0 : i32
      %dma_start3A_46 = tpu.memref_slice %arg3[%add3A, %dma_start3A_44, %dma_start3A_45] : memref<32x80x128xi32, #tpu.memory_space<hbm>> -> memref<1x80x128xi32, #tpu.memory_space<hbm>>
      %dma_start3A_47 = tpu.memref_squeeze %dma_start3A_46 : memref<1x80x128xi32, #tpu.memory_space<hbm>> -> memref<80x128xi32, #tpu.memory_space<hbm>>
      tpu.enqueue_dma source(%dma_start3A_47 : memref<80x128xi32, #tpu.memory_space<hbm>>) target(%arg9 : memref<80x128xi32, #tpu.memory_space<vmem>>) target_semaphore(%run_scoped3A : memref<!tpu.dma_semaphore, #tpu.memory_space<semaphore_mem>>)
      %dma_wait3A_48 = arith.constant 0 : i32
      %dma_wait3A_49 = arith.constant 0 : i32
      %dma_wait3A_50 = tpu.memref_slice %arg3[%add3A, %dma_wait3A_48, %dma_wait3A_49] : memref<32x80x128xi32, #tpu.memory_space<hbm>> -> memref<1x80x128xi32, #tpu.memory_space<hbm>>
      %dma_wait3A_51 = tpu.memref_squeeze %dma_wait3A_50 : memref<1x80x128xi32, #tpu.memory_space<hbm>> -> memref<80x128xi32, #tpu.memory_space<hbm>>
      %dma_wait3A_52 = arith.constant 0 : i32
      %dma_wait3A_53 = arith.constant 0 : i32
      %dma_wait3A_54 = tpu.memref_slice %arg3[%add3A, %dma_wait3A_52, %dma_wait3A_53] : memref<32x80x128xi32, #tpu.memory_space<hbm>> -> memref<1x80x128xi32, #tpu.memory_space<hbm>>
      %dma_wait3A_55 = tpu.memref_squeeze %dma_wait3A_54 : memref<1x80x128xi32, #tpu.memory_space<hbm>> -> memref<80x128xi32, #tpu.memory_space<hbm>>
      tpu.wait_dma2 semaphore(%run_scoped3A : memref<!tpu.dma_semaphore, #tpu.memory_space<semaphore_mem>>) src(%dma_wait3A_55 : memref<80x128xi32, #tpu.memory_space<hbm>>) dst(%arg9 : memref<80x128xi32, #tpu.memory_space<vmem>>)
      tpu.yield
    }) : () -> ()
    "tpu.region"() ({
      %run_scoped3A = tpu.sem_alloc : memref<!tpu.dma_semaphore, #tpu.memory_space<semaphore_mem>>
      %dma_start3A_40 = arith.constant 0 : i32
      %dma_start3A_41 = arith.constant 0 : i32
      %dma_start3A_42 = tpu.memref_slice %arg4[%add3A, %dma_start3A_40, %dma_start3A_41] : memref<32x80x128xi32, #tpu.memory_space<hbm>> -> memref<1x80x128xi32, #tpu.memory_space<hbm>>
      %dma_start3A_43 = tpu.memref_squeeze %dma_start3A_42 : memref<1x80x128xi32, #tpu.memory_space<hbm>> -> memref<80x128xi32, #tpu.memory_space<hbm>>
      %dma_start3A_44 = arith.constant 0 : i32
      %dma_start3A_45 = arith.constant 0 : i32
      %dma_start3A_46 = tpu.memref_slice %arg4[%add3A, %dma_start3A_44, %dma_start3A_45] : memref<32x80x128xi32, #tpu.memory_space<hbm>> -> memref<1x80x128xi32, #tpu.memory_space<hbm>>
      %dma_start3A_47 = tpu.memref_squeeze %dma_start3A_46 : memref<1x80x128xi32, #tpu.memory_space<hbm>> -> memref<80x128xi32, #tpu.memory_space<hbm>>
      tpu.enqueue_dma source(%dma_start3A_47 : memref<80x128xi32, #tpu.memory_space<hbm>>) target(%arg10 : memref<80x128xi32, #tpu.memory_space<vmem>>) target_semaphore(%run_scoped3A : memref<!tpu.dma_semaphore, #tpu.memory_space<semaphore_mem>>)
      %dma_wait3A_48 = arith.constant 0 : i32
      %dma_wait3A_49 = arith.constant 0 : i32
      %dma_wait3A_50 = tpu.memref_slice %arg4[%add3A, %dma_wait3A_48, %dma_wait3A_49] : memref<32x80x128xi32, #tpu.memory_space<hbm>> -> memref<1x80x128xi32, #tpu.memory_space<hbm>>
      %dma_wait3A_51 = tpu.memref_squeeze %dma_wait3A_50 : memref<1x80x128xi32, #tpu.memory_space<hbm>> -> memref<80x128xi32, #tpu.memory_space<hbm>>
      %dma_wait3A_52 = arith.constant 0 : i32
      %dma_wait3A_53 = arith.constant 0 : i32
      %dma_wait3A_54 = tpu.memref_slice %arg4[%add3A, %dma_wait3A_52, %dma_wait3A_53] : memref<32x80x128xi32, #tpu.memory_space<hbm>> -> memref<1x80x128xi32, #tpu.memory_space<hbm>>
      %dma_wait3A_55 = tpu.memref_squeeze %dma_wait3A_54 : memref<1x80x128xi32, #tpu.memory_space<hbm>> -> memref<80x128xi32, #tpu.memory_space<hbm>>
      tpu.wait_dma2 semaphore(%run_scoped3A : memref<!tpu.dma_semaphore, #tpu.memory_space<semaphore_mem>>) src(%dma_wait3A_55 : memref<80x128xi32, #tpu.memory_space<hbm>>) dst(%arg10 : memref<80x128xi32, #tpu.memory_space<vmem>>)
      tpu.yield
    }) : () -> ()
    %barrier3A = arith.constant 0 : index
    tpu.barrier barrier_id(%barrier3A)
    %dma_start3A = arith.constant 0 : i32
    %dma_start3A_7 = arith.constant 0 : i32
    %dma_start3A_8 = tpu.memref_slice %arg9[%dma_start3A, %dma_start3A_7] : memref<80x128xi32, #tpu.memory_space<vmem>> -> memref<1x128xi32, #tpu.memory_space<vmem>>
    %dma_start3A_9 = tpu.memref_squeeze %dma_start3A_8 : memref<1x128xi32, #tpu.memory_space<vmem>> -> memref<128xi32, #tpu.memory_space<vmem>>
    %dma_start3A_10 = arith.constant 0 : i32
    %dma_start3A_11 = arith.constant 0 : i32
    %dma_start3A_12 = tpu.memref_slice %arg16[%dma_start3A_10, %dma_start3A_11] : memref<10000x32xi32, #tpu.memory_space<vmem_shared>> -> memref<10000x32xi32, #tpu.memory_space<vmem_shared>>
    tpu.enqueue_indirect_dma source(%dma_start3A_12 : memref<10000x32xi32, #tpu.memory_space<vmem_shared>>) target(%arg11 : memref<128x32xi32, #tpu.memory_space<vmem>>) offsets(%dma_start3A_9 : memref<128xi32, #tpu.memory_space<vmem>>) semaphore(%arg18 : memref<!tpu.dma_semaphore, #tpu.memory_space<semaphore_mem>>)
    %dma_start3A_13 = arith.constant 1 : i32
    %dma_start3A_14 = arith.constant 0 : i32
    %dma_start3A_15 = tpu.memref_slice %arg9[%dma_start3A_13, %dma_start3A_14] : memref<80x128xi32, #tpu.memory_space<vmem>> -> memref<1x128xi32, #tpu.memory_space<vmem>>
    %dma_start3A_16 = tpu.memref_squeeze %dma_start3A_15 : memref<1x128xi32, #tpu.memory_space<vmem>> -> memref<128xi32, #tpu.memory_space<vmem>>
    %dma_start3A_17 = arith.constant 0 : i32
    %dma_start3A_18 = arith.constant 0 : i32
    %dma_start3A_19 = tpu.memref_slice %arg16[%dma_start3A_17, %dma_start3A_18] : memref<10000x32xi32, #tpu.memory_space<vmem_shared>> -> memref<10000x32xi32, #tpu.memory_space<vmem_shared>>
    tpu.enqueue_indirect_dma source(%dma_start3A_19 : memref<10000x32xi32, #tpu.memory_space<vmem_shared>>) target(%arg12 : memref<128x32xi32, #tpu.memory_space<vmem>>) offsets(%dma_start3A_16 : memref<128xi32, #tpu.memory_space<vmem>>) semaphore(%arg19 : memref<!tpu.dma_semaphore, #tpu.memory_space<semaphore_mem>>)
    %scan3A = arith.constant 0 : i32
    %scan3A_20 = arith.constant -65536 : i32
    %scan3A_21 = arith.constant 0 : i32
    %scan3A_22 = arith.constant 40 : i32
    %scan3A_23 = arith.addi %scan3A_21, %scan3A_22 : i32
    %scan3A_24 = arith.constant 1 : i32
    scf.for %scan3A_40 = %scan3A_21 to %scan3A_23 step %scan3A_24  : i32 {
      %mul3A_41 = arith.constant 2 : i32
      %mul3A_42 = arith.muli %scan3A_40, %mul3A_41 : i32
      %add3A_43 = arith.constant 0 : i32
      %add3A_44 = arith.addi %mul3A_42, %add3A_43 : i32
      %gt3A = arith.constant 0 : i32
      %gt3A_45 = arith.cmpi sgt, %scan3A_40, %gt3A : i32
      %convert_element_type3A = arith.extui %gt3A_45 : i1 to i32
      %cond3A = arith.constant 0 : i32
      %cond3A_46 = arith.cmpi ne, %convert_element_type3A, %cond3A : i32
      scf.if %cond3A_46 {
        %dma_wait3A_179 = arith.constant 0 : i32
        %dma_wait3A_180 = tpu.memref_slice %arg10[%add3A_44, %dma_wait3A_179] : memref<80x128xi32, #tpu.memory_space<vmem>> -> memref<1x128xi32, #tpu.memory_space<vmem>>
        %dma_wait3A_181 = tpu.memref_squeeze %dma_wait3A_180 : memref<1x128xi32, #tpu.memory_space<vmem>> -> memref<128xi32, #tpu.memory_space<vmem>>
        %dma_wait3A_182 = arith.constant 0 : i32
        %dma_wait3A_183 = arith.constant 0 : i32
        %dma_wait3A_184 = tpu.memref_slice %arg17[%dma_wait3A_182, %dma_wait3A_183] : memref<10112x64xf32, #tpu.memory_space<vmem_shared>> -> memref<10112x64xf32, #tpu.memory_space<vmem_shared>>
        tpu.wait_indirect_dma semaphore(%arg20 : memref<!tpu.dma_semaphore, #tpu.memory_space<semaphore_mem>>) src(%arg13 : memref<128x64xf32, #tpu.memory_space<vmem>>) dst(%dma_wait3A_184 : memref<10112x64xf32, #tpu.memory_space<vmem_shared>>)
      } else {
      }
      %dma_wait3A_47 = arith.constant 0 : i32
      %dma_wait3A_48 = tpu.memref_slice %arg9[%add3A_44, %dma_wait3A_47] : memref<80x128xi32, #tpu.memory_space<vmem>> -> memref<1x128xi32, #tpu.memory_space<vmem>>
      %dma_wait3A_49 = tpu.memref_squeeze %dma_wait3A_48 : memref<1x128xi32, #tpu.memory_space<vmem>> -> memref<128xi32, #tpu.memory_space<vmem>>
      %dma_wait3A_50 = arith.constant 0 : i32
      %dma_wait3A_51 = arith.constant 0 : i32
      %dma_wait3A_52 = tpu.memref_slice %arg16[%dma_wait3A_50, %dma_wait3A_51] : memref<10000x32xi32, #tpu.memory_space<vmem_shared>> -> memref<10000x32xi32, #tpu.memory_space<vmem_shared>>
      tpu.wait_indirect_dma semaphore(%arg18 : memref<!tpu.dma_semaphore, #tpu.memory_space<semaphore_mem>>) src(%dma_wait3A_52 : memref<10000x32xi32, #tpu.memory_space<vmem_shared>>) dst(%arg11 : memref<128x32xi32, #tpu.memory_space<vmem>>)
      %scan3A_53 = arith.constant 0 : i32
      %scan3A_54 = arith.constant 0 : i32
      %scan3A_55 = arith.constant 32 : i32
      %scan3A_56 = arith.addi %scan3A_54, %scan3A_55 : i32
      %scan3A_57 = arith.constant 1 : i32
      scf.for %scan3A_179 = %scan3A_54 to %scan3A_56 step %scan3A_57  : i32 {
        %mul3A_180 = arith.constant 4 : i32
        %mul3A_181 = arith.muli %scan3A_179, %mul3A_180 : i32
        %add3A_182 = arith.constant 0 : i32
        %add3A_183 = arith.addi %mul3A_181, %add3A_182 : i32
        %get3A_184 = arith.index_cast %add3A_183 : i32 to index
        %get3A_185 = arith.constant 0 : index
        %get3A_186 = tpu.vector_load %arg11[%get3A_184, %get3A_185] {strides = array<i32>} : memref<128x32xi32, #tpu.memory_space<vmem>>, vector<16xi32>,
        %shift_left3A = arith.constant 16 : i32
        %shift_left3A_187 = vector.broadcast %shift_left3A : i32 to vector<16xi32>
        %shift_left3A_188 = arith.shli %get3A_186, %shift_left3A_187 : vector<16xi32>
        %bitcast3A = vector.bitcast %shift_left3A_188 : vector<16xi32> to vector<16xf32>
        %and3A = vector.broadcast %scan3A_20 : i32 to vector<16xi32>
        %and3A_189 = arith.andi %get3A_186, %and3A : vector<16xi32>
        %bitcast3A_190 = vector.bitcast %and3A_189 : vector<16xi32> to vector<16xf32>
        %swap3A = arith.index_cast %add3A_183 : i32 to index
        %swap3A_191 = arith.constant 0 : index
        %swap3A_192 = tpu.vector_load %arg13[%swap3A, %swap3A_191] {strides = array<i32>} : memref<128x64xf32, #tpu.memory_space<vmem>>, vector<16xf32>,
        tpu.vector_store %arg13[%swap3A, %swap3A_191], %bitcast3A {strides = array<i32>} : memref<128x64xf32, #tpu.memory_space<vmem>>, vector<16xf32>,
        %swap3A_193 = arith.index_cast %add3A_183 : i32 to index
        %swap3A_194 = arith.constant 16 : index
        %swap3A_195 = tpu.vector_load %arg13[%swap3A_193, %swap3A_194] {strides = array<i32>} : memref<128x64xf32, #tpu.memory_space<vmem>>, vector<16xf32>,
        tpu.vector_store %arg13[%swap3A_193, %swap3A_194], %bitcast3A_190 {strides = array<i32>} : memref<128x64xf32, #tpu.memory_space<vmem>>, vector<16xf32>,
        %get3A_196 = arith.index_cast %add3A_183 : i32 to index
        %get3A_197 = arith.constant 16 : index
        %get3A_198 = tpu.vector_load %arg11[%get3A_196, %get3A_197] {strides = array<i32>} : memref<128x32xi32, #tpu.memory_space<vmem>>, vector<16xi32>,
        %shift_left3A_199 = arith.constant 16 : i32
        %shift_left3A_200 = vector.broadcast %shift_left3A_199 : i32 to vector<16xi32>
        %shift_left3A_201 = arith.shli %get3A_198, %shift_left3A_200 : vector<16xi32>
        %bitcast3A_202 = vector.bitcast %shift_left3A_201 : vector<16xi32> to vector<16xf32>
        %and3A_203 = vector.broadcast %scan3A_20 : i32 to vector<16xi32>
        %and3A_204 = arith.andi %get3A_198, %and3A_203 : vector<16xi32>
        %bitcast3A_205 = vector.bitcast %and3A_204 : vector<16xi32> to vector<16xf32>
        %swap3A_206 = arith.index_cast %add3A_183 : i32 to index
        %swap3A_207 = arith.constant 32 : index
        %swap3A_208 = tpu.vector_load %arg13[%swap3A_206, %swap3A_207] {strides = array<i32>} : memref<128x64xf32, #tpu.memory_space<vmem>>, vector<16xf32>,
        tpu.vector_store %arg13[%swap3A_206, %swap3A_207], %bitcast3A_202 {strides = array<i32>} : memref<128x64xf32, #tpu.memory_space<vmem>>, vector<16xf32>,
        %swap3A_209 = arith.index_cast %add3A_183 : i32 to index
        %swap3A_210 = arith.constant 48 : index
        %swap3A_211 = tpu.vector_load %arg13[%swap3A_209, %swap3A_210] {strides = array<i32>} : memref<128x64xf32, #tpu.memory_space<vmem>>, vector<16xf32>,
        tpu.vector_store %arg13[%swap3A_209, %swap3A_210], %bitcast3A_205 {strides = array<i32>} : memref<128x64xf32, #tpu.memory_space<vmem>>, vector<16xf32>,
        %mul3A_212 = arith.constant 4 : i32
        %mul3A_213 = arith.muli %scan3A_179, %mul3A_212 : i32
        %add3A_214 = arith.constant 1 : i32
        %add3A_215 = arith.addi %mul3A_213, %add3A_214 : i32
        %get3A_216 = arith.index_cast %add3A_215 : i32 to index
        %get3A_217 = arith.constant 0 : index
        %get3A_218 = tpu.vector_load %arg11[%get3A_216, %get3A_217] {strides = array<i32>} : memref<128x32xi32, #tpu.memory_space<vmem>>, vector<16xi32>,
        %shift_left3A_219 = arith.constant 16 : i32
        %shift_left3A_220 = vector.broadcast %shift_left3A_219 : i32 to vector<16xi32>
        %shift_left3A_221 = arith.shli %get3A_218, %shift_left3A_220 : vector<16xi32>
        %bitcast3A_222 = vector.bitcast %shift_left3A_221 : vector<16xi32> to vector<16xf32>
        %and3A_223 = vector.broadcast %scan3A_20 : i32 to vector<16xi32>
        %and3A_224 = arith.andi %get3A_218, %and3A_223 : vector<16xi32>
        %bitcast3A_225 = vector.bitcast %and3A_224 : vector<16xi32> to vector<16xf32>
        %swap3A_226 = arith.index_cast %add3A_215 : i32 to index
        %swap3A_227 = arith.constant 0 : index
        %swap3A_228 = tpu.vector_load %arg13[%swap3A_226, %swap3A_227] {strides = array<i32>} : memref<128x64xf32, #tpu.memory_space<vmem>>, vector<16xf32>,
        tpu.vector_store %arg13[%swap3A_226, %swap3A_227], %bitcast3A_222 {strides = array<i32>} : memref<128x64xf32, #tpu.memory_space<vmem>>, vector<16xf32>,
        %swap3A_229 = arith.index_cast %add3A_215 : i32 to index
        %swap3A_230 = arith.constant 16 : index
        %swap3A_231 = tpu.vector_load %arg13[%swap3A_229, %swap3A_230] {strides = array<i32>} : memref<128x64xf32, #tpu.memory_space<vmem>>, vector<16xf32>,
        tpu.vector_store %arg13[%swap3A_229, %swap3A_230], %bitcast3A_225 {strides = array<i32>} : memref<128x64xf32, #tpu.memory_space<vmem>>, vector<16xf32>,
        %get3A_232 = arith.index_cast %add3A_215 : i32 to index
        %get3A_233 = arith.constant 16 : index
        %get3A_234 = tpu.vector_load %arg11[%get3A_232, %get3A_233] {strides = array<i32>} : memref<128x32xi32, #tpu.memory_space<vmem>>, vector<16xi32>,
        %shift_left3A_235 = arith.constant 16 : i32
        %shift_left3A_236 = vector.broadcast %shift_left3A_235 : i32 to vector<16xi32>
        %shift_left3A_237 = arith.shli %get3A_234, %shift_left3A_236 : vector<16xi32>
        %bitcast3A_238 = vector.bitcast %shift_left3A_237 : vector<16xi32> to vector<16xf32>
        %and3A_239 = vector.broadcast %scan3A_20 : i32 to vector<16xi32>
        %and3A_240 = arith.andi %get3A_234, %and3A_239 : vector<16xi32>
        %bitcast3A_241 = vector.bitcast %and3A_240 : vector<16xi32> to vector<16xf32>
        %swap3A_242 = arith.index_cast %add3A_215 : i32 to index
        %swap3A_243 = arith.constant 32 : index
        %swap3A_244 = tpu.vector_load %arg13[%swap3A_242, %swap3A_243] {strides = array<i32>} : memref<128x64xf32, #tpu.memory_space<vmem>>, vector<16xf32>,
        tpu.vector_store %arg13[%swap3A_242, %swap3A_243], %bitcast3A_238 {strides = array<i32>} : memref<128x64xf32, #tpu.memory_space<vmem>>, vector<16xf32>,
        %swap3A_245 = arith.index_cast %add3A_215 : i32 to index
        %swap3A_246 = arith.constant 48 : index
        %swap3A_247 = tpu.vector_load %arg13[%swap3A_245, %swap3A_246] {strides = array<i32>} : memref<128x64xf32, #tpu.memory_space<vmem>>, vector<16xf32>,
        tpu.vector_store %arg13[%swap3A_245, %swap3A_246], %bitcast3A_241 {strides = array<i32>} : memref<128x64xf32, #tpu.memory_space<vmem>>, vector<16xf32>,
        %mul3A_248 = arith.constant 4 : i32
        %mul3A_249 = arith.muli %scan3A_179, %mul3A_248 : i32
        %add3A_250 = arith.constant 2 : i32
        %add3A_251 = arith.addi %mul3A_249, %add3A_250 : i32
        %get3A_252 = arith.index_cast %add3A_251 : i32 to index
        %get3A_253 = arith.constant 0 : index
        %get3A_254 = tpu.vector_load %arg11[%get3A_252, %get3A_253] {strides = array<i32>} : memref<128x32xi32, #tpu.memory_space<vmem>>, vector<16xi32>,
        %shift_left3A_255 = arith.constant 16 : i32
        %shift_left3A_256 = vector.broadcast %shift_left3A_255 : i32 to vector<16xi32>
        %shift_left3A_257 = arith.shli %get3A_254, %shift_left3A_256 : vector<16xi32>
        %bitcast3A_258 = vector.bitcast %shift_left3A_257 : vector<16xi32> to vector<16xf32>
        %and3A_259 = vector.broadcast %scan3A_20 : i32 to vector<16xi32>
        %and3A_260 = arith.andi %get3A_254, %and3A_259 : vector<16xi32>
        %bitcast3A_261 = vector.bitcast %and3A_260 : vector<16xi32> to vector<16xf32>
        %swap3A_262 = arith.index_cast %add3A_251 : i32 to index
        %swap3A_263 = arith.constant 0 : index
        %swap3A_264 = tpu.vector_load %arg13[%swap3A_262, %swap3A_263] {strides = array<i32>} : memref<128x64xf32, #tpu.memory_space<vmem>>, vector<16xf32>,
        tpu.vector_store %arg13[%swap3A_262, %swap3A_263], %bitcast3A_258 {strides = array<i32>} : memref<128x64xf32, #tpu.memory_space<vmem>>, vector<16xf32>,
        %swap3A_265 = arith.index_cast %add3A_251 : i32 to index
        %swap3A_266 = arith.constant 16 : index
        %swap3A_267 = tpu.vector_load %arg13[%swap3A_265, %swap3A_266] {strides = array<i32>} : memref<128x64xf32, #tpu.memory_space<vmem>>, vector<16xf32>,
        tpu.vector_store %arg13[%swap3A_265, %swap3A_266], %bitcast3A_261 {strides = array<i32>} : memref<128x64xf32, #tpu.memory_space<vmem>>, vector<16xf32>,
        %get3A_268 = arith.index_cast %add3A_251 : i32 to index
        %get3A_269 = arith.constant 16 : index
        %get3A_270 = tpu.vector_load %arg11[%get3A_268, %get3A_269] {strides = array<i32>} : memref<128x32xi32, #tpu.memory_space<vmem>>, vector<16xi32>,
        %shift_left3A_271 = arith.constant 16 : i32
        %shift_left3A_272 = vector.broadcast %shift_left3A_271 : i32 to vector<16xi32>
        %shift_left3A_273 = arith.shli %get3A_270, %shift_left3A_272 : vector<16xi32>
        %bitcast3A_274 = vector.bitcast %shift_left3A_273 : vector<16xi32> to vector<16xf32>
        %and3A_275 = vector.broadcast %scan3A_20 : i32 to vector<16xi32>
        %and3A_276 = arith.andi %get3A_270, %and3A_275 : vector<16xi32>
        %bitcast3A_277 = vector.bitcast %and3A_276 : vector<16xi32> to vector<16xf32>
        %swap3A_278 = arith.index_cast %add3A_251 : i32 to index
        %swap3A_279 = arith.constant 32 : index
        %swap3A_280 = tpu.vector_load %arg13[%swap3A_278, %swap3A_279] {strides = array<i32>} : memref<128x64xf32, #tpu.memory_space<vmem>>, vector<16xf32>,
        tpu.vector_store %arg13[%swap3A_278, %swap3A_279], %bitcast3A_274 {strides = array<i32>} : memref<128x64xf32, #tpu.memory_space<vmem>>, vector<16xf32>,
        %swap3A_281 = arith.index_cast %add3A_251 : i32 to index
        %swap3A_282 = arith.constant 48 : index
        %swap3A_283 = tpu.vector_load %arg13[%swap3A_281, %swap3A_282] {strides = array<i32>} : memref<128x64xf32, #tpu.memory_space<vmem>>, vector<16xf32>,
        tpu.vector_store %arg13[%swap3A_281, %swap3A_282], %bitcast3A_277 {strides = array<i32>} : memref<128x64xf32, #tpu.memory_space<vmem>>, vector<16xf32>,
        %mul3A_284 = arith.constant 4 : i32
        %mul3A_285 = arith.muli %scan3A_179, %mul3A_284 : i32
        %add3A_286 = arith.constant 3 : i32
        %add3A_287 = arith.addi %mul3A_285, %add3A_286 : i32
        %get3A_288 = arith.index_cast %add3A_287 : i32 to index
        %get3A_289 = arith.constant 0 : index
        %get3A_290 = tpu.vector_load %arg11[%get3A_288, %get3A_289] {strides = array<i32>} : memref<128x32xi32, #tpu.memory_space<vmem>>, vector<16xi32>,
        %shift_left3A_291 = arith.constant 16 : i32
        %shift_left3A_292 = vector.broadcast %shift_left3A_291 : i32 to vector<16xi32>
        %shift_left3A_293 = arith.shli %get3A_290, %shift_left3A_292 : vector<16xi32>
        %bitcast3A_294 = vector.bitcast %shift_left3A_293 : vector<16xi32> to vector<16xf32>
        %and3A_295 = vector.broadcast %scan3A_20 : i32 to vector<16xi32>
        %and3A_296 = arith.andi %get3A_290, %and3A_295 : vector<16xi32>
        %bitcast3A_297 = vector.bitcast %and3A_296 : vector<16xi32> to vector<16xf32>
        %swap3A_298 = arith.index_cast %add3A_287 : i32 to index
        %swap3A_299 = arith.constant 0 : index
        %swap3A_300 = tpu.vector_load %arg13[%swap3A_298, %swap3A_299] {strides = array<i32>} : memref<128x64xf32, #tpu.memory_space<vmem>>, vector<16xf32>,
        tpu.vector_store %arg13[%swap3A_298, %swap3A_299], %bitcast3A_294 {strides = array<i32>} : memref<128x64xf32, #tpu.memory_space<vmem>>, vector<16xf32>,
        %swap3A_301 = arith.index_cast %add3A_287 : i32 to index
        %swap3A_302 = arith.constant 16 : index
        %swap3A_303 = tpu.vector_load %arg13[%swap3A_301, %swap3A_302] {strides = array<i32>} : memref<128x64xf32, #tpu.memory_space<vmem>>, vector<16xf32>,
        tpu.vector_store %arg13[%swap3A_301, %swap3A_302], %bitcast3A_297 {strides = array<i32>} : memref<128x64xf32, #tpu.memory_space<vmem>>, vector<16xf32>,
        %get3A_304 = arith.index_cast %add3A_287 : i32 to index
        %get3A_305 = arith.constant 16 : index
        %get3A_306 = tpu.vector_load %arg11[%get3A_304, %get3A_305] {strides = array<i32>} : memref<128x32xi32, #tpu.memory_space<vmem>>, vector<16xi32>,
        %shift_left3A_307 = arith.constant 16 : i32
        %shift_left3A_308 = vector.broadcast %shift_left3A_307 : i32 to vector<16xi32>
        %shift_left3A_309 = arith.shli %get3A_306, %shift_left3A_308 : vector<16xi32>
        %bitcast3A_310 = vector.bitcast %shift_left3A_309 : vector<16xi32> to vector<16xf32>
        %and3A_311 = vector.broadcast %scan3A_20 : i32 to vector<16xi32>
        %and3A_312 = arith.andi %get3A_306, %and3A_311 : vector<16xi32>
        %bitcast3A_313 = vector.bitcast %and3A_312 : vector<16xi32> to vector<16xf32>
        %swap3A_314 = arith.index_cast %add3A_287 : i32 to index
        %swap3A_315 = arith.constant 32 : index
        %swap3A_316 = tpu.vector_load %arg13[%swap3A_314, %swap3A_315] {strides = array<i32>} : memref<128x64xf32, #tpu.memory_space<vmem>>, vector<16xf32>,
        tpu.vector_store %arg13[%swap3A_314, %swap3A_315], %bitcast3A_310 {strides = array<i32>} : memref<128x64xf32, #tpu.memory_space<vmem>>, vector<16xf32>,
        %swap3A_317 = arith.index_cast %add3A_287 : i32 to index
        %swap3A_318 = arith.constant 48 : index
        %swap3A_319 = tpu.vector_load %arg13[%swap3A_317, %swap3A_318] {strides = array<i32>} : memref<128x64xf32, #tpu.memory_space<vmem>>, vector<16xf32>,
        tpu.vector_store %arg13[%swap3A_317, %swap3A_318], %bitcast3A_313 {strides = array<i32>} : memref<128x64xf32, #tpu.memory_space<vmem>>, vector<16xf32>,
      }
      %scan3A_58 = arith.constant 32 : i32
      %lt3A = arith.constant 39 : i32
      %lt3A_59 = arith.cmpi slt, %scan3A_40, %lt3A : i32
      %convert_element_type3A_60 = arith.extui %lt3A_59 : i1 to i32
      %cond3A_61 = arith.constant 0 : i32
      %cond3A_62 = arith.cmpi ne, %convert_element_type3A_60, %cond3A_61 : i32
      scf.if %cond3A_62 {
        %add3A_179 = arith.constant 2 : i32
        %add3A_180 = arith.addi %add3A_44, %add3A_179 : i32
        %dma_start3A_181 = arith.constant 0 : i32
        %dma_start3A_182 = tpu.memref_slice %arg9[%add3A_180, %dma_start3A_181] : memref<80x128xi32, #tpu.memory_space<vmem>> -> memref<1x128xi32, #tpu.memory_space<vmem>>
        %dma_start3A_183 = tpu.memref_squeeze %dma_start3A_182 : memref<1x128xi32, #tpu.memory_space<vmem>> -> memref<128xi32, #tpu.memory_space<vmem>>
        %dma_start3A_184 = arith.constant 0 : i32
        %dma_start3A_185 = arith.constant 0 : i32
        %dma_start3A_186 = tpu.memref_slice %arg16[%dma_start3A_184, %dma_start3A_185] : memref<10000x32xi32, #tpu.memory_space<vmem_shared>> -> memref<10000x32xi32, #tpu.memory_space<vmem_shared>>
        tpu.enqueue_indirect_dma source(%dma_start3A_186 : memref<10000x32xi32, #tpu.memory_space<vmem_shared>>) target(%arg11 : memref<128x32xi32, #tpu.memory_space<vmem>>) offsets(%dma_start3A_183 : memref<128xi32, #tpu.memory_space<vmem>>) semaphore(%arg18 : memref<!tpu.dma_semaphore, #tpu.memory_space<semaphore_mem>>)
      } else {
      }
      %dma_start3A_63 = arith.constant 0 : i32
      %dma_start3A_64 = tpu.memref_slice %arg10[%add3A_44, %dma_start3A_63] : memref<80x128xi32, #tpu.memory_space<vmem>> -> memref<1x128xi32, #tpu.memory_space<vmem>>
      %dma_start3A_65 = tpu.memref_squeeze %dma_start3A_64 : memref<1x128xi32, #tpu.memory_space<vmem>> -> memref<128xi32, #tpu.memory_space<vmem>>
      %dma_start3A_66 = arith.constant 0 : i32
      %dma_start3A_67 = arith.constant 0 : i32
      %dma_start3A_68 = tpu.memref_slice %arg17[%dma_start3A_66, %dma_start3A_67] : memref<10112x64xf32, #tpu.memory_space<vmem_shared>> -> memref<10112x64xf32, #tpu.memory_space<vmem_shared>>
      tpu.enqueue_indirect_dma source(%arg13 : memref<128x64xf32, #tpu.memory_space<vmem>>) target(%dma_start3A_68 : memref<10112x64xf32, #tpu.memory_space<vmem_shared>>) offsets(%dma_start3A_65 : memref<128xi32, #tpu.memory_space<vmem>>) semaphore(%arg20 : memref<!tpu.dma_semaphore, #tpu.memory_space<semaphore_mem>>) {add = true}
      %get3A = arith.index_cast %add3A_44 : i32 to index
      %get3A_69 = arith.constant 0 : index
      %get3A_70 = tpu.vector_load %arg10[%get3A, %get3A_69] {strides = array<i32>} : memref<80x128xi32, #tpu.memory_space<vmem>>, vector<16xi32>,
      %broadcast_in_dim3A = arith.constant 1.000000e+00 : f32
      %broadcast_in_dim3A_71 = vector.broadcast %broadcast_in_dim3A : f32 to vector<16xf32>
      tpu.vector_store_idx %arg15[%get3A_70], %broadcast_in_dim3A_71 {add = true} : memref<10112xf32, #tpu.memory_space<vmem>>[vector<16xi32>], vector<16xf32>,
      %get3A_72 = arith.index_cast %add3A_44 : i32 to index
      %get3A_73 = arith.constant 16 : index
      %get3A_74 = tpu.vector_load %arg10[%get3A_72, %get3A_73] {strides = array<i32>} : memref<80x128xi32, #tpu.memory_space<vmem>>, vector<16xi32>,
      %broadcast_in_dim3A_75 = arith.constant 1.000000e+00 : f32
      %broadcast_in_dim3A_76 = vector.broadcast %broadcast_in_dim3A_75 : f32 to vector<16xf32>
      tpu.vector_store_idx %arg15[%get3A_74], %broadcast_in_dim3A_76 {add = true} : memref<10112xf32, #tpu.memory_space<vmem>>[vector<16xi32>], vector<16xf32>,
      %get3A_77 = arith.index_cast %add3A_44 : i32 to index
      %get3A_78 = arith.constant 32 : index
      %get3A_79 = tpu.vector_load %arg10[%get3A_77, %get3A_78] {strides = array<i32>} : memref<80x128xi32, #tpu.memory_space<vmem>>, vector<16xi32>,
      %broadcast_in_dim3A_80 = arith.constant 1.000000e+00 : f32
      %broadcast_in_dim3A_81 = vector.broadcast %broadcast_in_dim3A_80 : f32 to vector<16xf32>
      tpu.vector_store_idx %arg15[%get3A_79], %broadcast_in_dim3A_81 {add = true} : memref<10112xf32, #tpu.memory_space<vmem>>[vector<16xi32>], vector<16xf32>,
      %get3A_82 = arith.index_cast %add3A_44 : i32 to index
      %get3A_83 = arith.constant 48 : index
      %get3A_84 = tpu.vector_load %arg10[%get3A_82, %get3A_83] {strides = array<i32>} : memref<80x128xi32, #tpu.memory_space<vmem>>, vector<16xi32>,
      %broadcast_in_dim3A_85 = arith.constant 1.000000e+00 : f32
      %broadcast_in_dim3A_86 = vector.broadcast %broadcast_in_dim3A_85 : f32 to vector<16xf32>
      tpu.vector_store_idx %arg15[%get3A_84], %broadcast_in_dim3A_86 {add = true} : memref<10112xf32, #tpu.memory_space<vmem>>[vector<16xi32>], vector<16xf32>,
      %get3A_87 = arith.index_cast %add3A_44 : i32 to index
      %get3A_88 = arith.constant 64 : index
      %get3A_89 = tpu.vector_load %arg10[%get3A_87, %get3A_88] {strides = array<i32>} : memref<80x128xi32, #tpu.memory_space<vmem>>, vector<16xi32>,
      %broadcast_in_dim3A_90 = arith.constant 1.000000e+00 : f32
      %broadcast_in_dim3A_91 = vector.broadcast %broadcast_in_dim3A_90 : f32 to vector<16xf32>
      tpu.vector_store_idx %arg15[%get3A_89], %broadcast_in_dim3A_91 {add = true} : memref<10112xf32, #tpu.memory_space<vmem>>[vector<16xi32>], vector<16xf32>,
      %get3A_92 = arith.index_cast %add3A_44 : i32 to index
      %get3A_93 = arith.constant 80 : index
      %get3A_94 = tpu.vector_load %arg10[%get3A_92, %get3A_93] {strides = array<i32>} : memref<80x128xi32, #tpu.memory_space<vmem>>, vector<16xi32>,
      %broadcast_in_dim3A_95 = arith.constant 1.000000e+00 : f32
      %broadcast_in_dim3A_96 = vector.broadcast %broadcast_in_dim3A_95 : f32 to vector<16xf32>
      tpu.vector_store_idx %arg15[%get3A_94], %broadcast_in_dim3A_96 {add = true} : memref<10112xf32, #tpu.memory_space<vmem>>[vector<16xi32>], vector<16xf32>,
      %get3A_97 = arith.index_cast %add3A_44 : i32 to index
      %get3A_98 = arith.constant 96 : index
      %get3A_99 = tpu.vector_load %arg10[%get3A_97, %get3A_98] {strides = array<i32>} : memref<80x128xi32, #tpu.memory_space<vmem>>, vector<16xi32>,
      %broadcast_in_dim3A_100 = arith.constant 1.000000e+00 : f32
      %broadcast_in_dim3A_101 = vector.broadcast %broadcast_in_dim3A_100 : f32 to vector<16xf32>
      tpu.vector_store_idx %arg15[%get3A_99], %broadcast_in_dim3A_101 {add = true} : memref<10112xf32, #tpu.memory_space<vmem>>[vector<16xi32>], vector<16xf32>,
      %get3A_102 = arith.index_cast %add3A_44 : i32 to index
      %get3A_103 = arith.constant 112 : index
      %get3A_104 = tpu.vector_load %arg10[%get3A_102, %get3A_103] {strides = array<i32>} : memref<80x128xi32, #tpu.memory_space<vmem>>, vector<16xi32>,
      %broadcast_in_dim3A_105 = arith.constant 1.000000e+00 : f32
      %broadcast_in_dim3A_106 = vector.broadcast %broadcast_in_dim3A_105 : f32 to vector<16xf32>
      tpu.vector_store_idx %arg15[%get3A_104], %broadcast_in_dim3A_106 {add = true} : memref<10112xf32, #tpu.memory_space<vmem>>[vector<16xi32>], vector<16xf32>,
      %mul3A_107 = arith.constant 2 : i32
      %mul3A_108 = arith.muli %scan3A_40, %mul3A_107 : i32
      %add3A_109 = arith.constant 1 : i32
      %add3A_110 = arith.addi %mul3A_108, %add3A_109 : i32
      %gt3A_111 = arith.constant 0 : i32
      %gt3A_112 = arith.cmpi sgt, %scan3A_40, %gt3A_111 : i32
      %convert_element_type3A_113 = arith.extui %gt3A_112 : i1 to i32
      %cond3A_114 = arith.constant 0 : i32
      %cond3A_115 = arith.cmpi ne, %convert_element_type3A_113, %cond3A_114 : i32
      scf.if %cond3A_115 {
        %dma_wait3A_179 = arith.constant 0 : i32
        %dma_wait3A_180 = tpu.memref_slice %arg10[%add3A_110, %dma_wait3A_179] : memref<80x128xi32, #tpu.memory_space<vmem>> -> memref<1x128xi32, #tpu.memory_space<vmem>>
        %dma_wait3A_181 = tpu.memref_squeeze %dma_wait3A_180 : memref<1x128xi32, #tpu.memory_space<vmem>> -> memref<128xi32, #tpu.memory_space<vmem>>
        %dma_wait3A_182 = arith.constant 0 : i32
        %dma_wait3A_183 = arith.constant 0 : i32
        %dma_wait3A_184 = tpu.memref_slice %arg17[%dma_wait3A_182, %dma_wait3A_183] : memref<10112x64xf32, #tpu.memory_space<vmem_shared>> -> memref<10112x64xf32, #tpu.memory_space<vmem_shared>>
        tpu.wait_indirect_dma semaphore(%arg21 : memref<!tpu.dma_semaphore, #tpu.memory_space<semaphore_mem>>) src(%arg14 : memref<128x64xf32, #tpu.memory_space<vmem>>) dst(%dma_wait3A_184 : memref<10112x64xf32, #tpu.memory_space<vmem_shared>>)
      } else {
      }
      %dma_wait3A_116 = arith.constant 0 : i32
      %dma_wait3A_117 = tpu.memref_slice %arg9[%add3A_110, %dma_wait3A_116] : memref<80x128xi32, #tpu.memory_space<vmem>> -> memref<1x128xi32, #tpu.memory_space<vmem>>
      %dma_wait3A_118 = tpu.memref_squeeze %dma_wait3A_117 : memref<1x128xi32, #tpu.memory_space<vmem>> -> memref<128xi32, #tpu.memory_space<vmem>>
      %dma_wait3A_119 = arith.constant 0 : i32
      %dma_wait3A_120 = arith.constant 0 : i32
      %dma_wait3A_121 = tpu.memref_slice %arg16[%dma_wait3A_119, %dma_wait3A_120] : memref<10000x32xi32, #tpu.memory_space<vmem_shared>> -> memref<10000x32xi32, #tpu.memory_space<vmem_shared>>
      tpu.wait_indirect_dma semaphore(%arg19 : memref<!tpu.dma_semaphore, #tpu.memory_space<semaphore_mem>>) src(%dma_wait3A_121 : memref<10000x32xi32, #tpu.memory_space<vmem_shared>>) dst(%arg12 : memref<128x32xi32, #tpu.memory_space<vmem>>)
      %scan3A_122 = arith.constant 0 : i32
      %scan3A_123 = arith.constant 0 : i32
      %scan3A_124 = arith.constant 32 : i32
      %scan3A_125 = arith.addi %scan3A_123, %scan3A_124 : i32
      %scan3A_126 = arith.constant 1 : i32
      scf.for %scan3A_179 = %scan3A_123 to %scan3A_125 step %scan3A_126  : i32 {
        %mul3A_180 = arith.constant 4 : i32
        %mul3A_181 = arith.muli %scan3A_179, %mul3A_180 : i32
        %add3A_182 = arith.constant 0 : i32
        %add3A_183 = arith.addi %mul3A_181, %add3A_182 : i32
        %get3A_184 = arith.index_cast %add3A_183 : i32 to index
        %get3A_185 = arith.constant 0 : index
        %get3A_186 = tpu.vector_load %arg12[%get3A_184, %get3A_185] {strides = array<i32>} : memref<128x32xi32, #tpu.memory_space<vmem>>, vector<16xi32>,
        %shift_left3A = arith.constant 16 : i32
        %shift_left3A_187 = vector.broadcast %shift_left3A : i32 to vector<16xi32>
        %shift_left3A_188 = arith.shli %get3A_186, %shift_left3A_187 : vector<16xi32>
        %bitcast3A = vector.bitcast %shift_left3A_188 : vector<16xi32> to vector<16xf32>
        %and3A = vector.broadcast %scan3A_20 : i32 to vector<16xi32>
        %and3A_189 = arith.andi %get3A_186, %and3A : vector<16xi32>
        %bitcast3A_190 = vector.bitcast %and3A_189 : vector<16xi32> to vector<16xf32>
        %swap3A = arith.index_cast %add3A_183 : i32 to index
        %swap3A_191 = arith.constant 0 : index
        %swap3A_192 = tpu.vector_load %arg14[%swap3A, %swap3A_191] {strides = array<i32>} : memref<128x64xf32, #tpu.memory_space<vmem>>, vector<16xf32>,
        tpu.vector_store %arg14[%swap3A, %swap3A_191], %bitcast3A {strides = array<i32>} : memref<128x64xf32, #tpu.memory_space<vmem>>, vector<16xf32>,
        %swap3A_193 = arith.index_cast %add3A_183 : i32 to index
        %swap3A_194 = arith.constant 16 : index
        %swap3A_195 = tpu.vector_load %arg14[%swap3A_193, %swap3A_194] {strides = array<i32>} : memref<128x64xf32, #tpu.memory_space<vmem>>, vector<16xf32>,
        tpu.vector_store %arg14[%swap3A_193, %swap3A_194], %bitcast3A_190 {strides = array<i32>} : memref<128x64xf32, #tpu.memory_space<vmem>>, vector<16xf32>,
        %get3A_196 = arith.index_cast %add3A_183 : i32 to index
        %get3A_197 = arith.constant 16 : index
        %get3A_198 = tpu.vector_load %arg12[%get3A_196, %get3A_197] {strides = array<i32>} : memref<128x32xi32, #tpu.memory_space<vmem>>, vector<16xi32>,
        %shift_left3A_199 = arith.constant 16 : i32
        %shift_left3A_200 = vector.broadcast %shift_left3A_199 : i32 to vector<16xi32>
        %shift_left3A_201 = arith.shli %get3A_198, %shift_left3A_200 : vector<16xi32>
        %bitcast3A_202 = vector.bitcast %shift_left3A_201 : vector<16xi32> to vector<16xf32>
        %and3A_203 = vector.broadcast %scan3A_20 : i32 to vector<16xi32>
        %and3A_204 = arith.andi %get3A_198, %and3A_203 : vector<16xi32>
        %bitcast3A_205 = vector.bitcast %and3A_204 : vector<16xi32> to vector<16xf32>
        %swap3A_206 = arith.index_cast %add3A_183 : i32 to index
        %swap3A_207 = arith.constant 32 : index
        %swap3A_208 = tpu.vector_load %arg14[%swap3A_206, %swap3A_207] {strides = array<i32>} : memref<128x64xf32, #tpu.memory_space<vmem>>, vector<16xf32>,
        tpu.vector_store %arg14[%swap3A_206, %swap3A_207], %bitcast3A_202 {strides = array<i32>} : memref<128x64xf32, #tpu.memory_space<vmem>>, vector<16xf32>,
        %swap3A_209 = arith.index_cast %add3A_183 : i32 to index
        %swap3A_210 = arith.constant 48 : index
        %swap3A_211 = tpu.vector_load %arg14[%swap3A_209, %swap3A_210] {strides = array<i32>} : memref<128x64xf32, #tpu.memory_space<vmem>>, vector<16xf32>,
        tpu.vector_store %arg14[%swap3A_209, %swap3A_210], %bitcast3A_205 {strides = array<i32>} : memref<128x64xf32, #tpu.memory_space<vmem>>, vector<16xf32>,
        %mul3A_212 = arith.constant 4 : i32
        %mul3A_213 = arith.muli %scan3A_179, %mul3A_212 : i32
        %add3A_214 = arith.constant 1 : i32
        %add3A_215 = arith.addi %mul3A_213, %add3A_214 : i32
        %get3A_216 = arith.index_cast %add3A_215 : i32 to index
        %get3A_217 = arith.constant 0 : index
        %get3A_218 = tpu.vector_load %arg12[%get3A_216, %get3A_217] {strides = array<i32>} : memref<128x32xi32, #tpu.memory_space<vmem>>, vector<16xi32>,
        %shift_left3A_219 = arith.constant 16 : i32
        %shift_left3A_220 = vector.broadcast %shift_left3A_219 : i32 to vector<16xi32>
        %shift_left3A_221 = arith.shli %get3A_218, %shift_left3A_220 : vector<16xi32>
        %bitcast3A_222 = vector.bitcast %shift_left3A_221 : vector<16xi32> to vector<16xf32>
        %and3A_223 = vector.broadcast %scan3A_20 : i32 to vector<16xi32>
        %and3A_224 = arith.andi %get3A_218, %and3A_223 : vector<16xi32>
        %bitcast3A_225 = vector.bitcast %and3A_224 : vector<16xi32> to vector<16xf32>
        %swap3A_226 = arith.index_cast %add3A_215 : i32 to index
        %swap3A_227 = arith.constant 0 : index
        %swap3A_228 = tpu.vector_load %arg14[%swap3A_226, %swap3A_227] {strides = array<i32>} : memref<128x64xf32, #tpu.memory_space<vmem>>, vector<16xf32>,
        tpu.vector_store %arg14[%swap3A_226, %swap3A_227], %bitcast3A_222 {strides = array<i32>} : memref<128x64xf32, #tpu.memory_space<vmem>>, vector<16xf32>,
        %swap3A_229 = arith.index_cast %add3A_215 : i32 to index
        %swap3A_230 = arith.constant 16 : index
        %swap3A_231 = tpu.vector_load %arg14[%swap3A_229, %swap3A_230] {strides = array<i32>} : memref<128x64xf32, #tpu.memory_space<vmem>>, vector<16xf32>,
        tpu.vector_store %arg14[%swap3A_229, %swap3A_230], %bitcast3A_225 {strides = array<i32>} : memref<128x64xf32, #tpu.memory_space<vmem>>, vector<16xf32>,
        %get3A_232 = arith.index_cast %add3A_215 : i32 to index
        %get3A_233 = arith.constant 16 : index
        %get3A_234 = tpu.vector_load %arg12[%get3A_232, %get3A_233] {strides = array<i32>} : memref<128x32xi32, #tpu.memory_space<vmem>>, vector<16xi32>,
        %shift_left3A_235 = arith.constant 16 : i32
        %shift_left3A_236 = vector.broadcast %shift_left3A_235 : i32 to vector<16xi32>
        %shift_left3A_237 = arith.shli %get3A_234, %shift_left3A_236 : vector<16xi32>
        %bitcast3A_238 = vector.bitcast %shift_left3A_237 : vector<16xi32> to vector<16xf32>
        %and3A_239 = vector.broadcast %scan3A_20 : i32 to vector<16xi32>
        %and3A_240 = arith.andi %get3A_234, %and3A_239 : vector<16xi32>
        %bitcast3A_241 = vector.bitcast %and3A_240 : vector<16xi32> to vector<16xf32>
        %swap3A_242 = arith.index_cast %add3A_215 : i32 to index
        %swap3A_243 = arith.constant 32 : index
        %swap3A_244 = tpu.vector_load %arg14[%swap3A_242, %swap3A_243] {strides = array<i32>} : memref<128x64xf32, #tpu.memory_space<vmem>>, vector<16xf32>,
        tpu.vector_store %arg14[%swap3A_242, %swap3A_243], %bitcast3A_238 {strides = array<i32>} : memref<128x64xf32, #tpu.memory_space<vmem>>, vector<16xf32>,
        %swap3A_245 = arith.index_cast %add3A_215 : i32 to index
        %swap3A_246 = arith.constant 48 : index
        %swap3A_247 = tpu.vector_load %arg14[%swap3A_245, %swap3A_246] {strides = array<i32>} : memref<128x64xf32, #tpu.memory_space<vmem>>, vector<16xf32>,
        tpu.vector_store %arg14[%swap3A_245, %swap3A_246], %bitcast3A_241 {strides = array<i32>} : memref<128x64xf32, #tpu.memory_space<vmem>>, vector<16xf32>,
        %mul3A_248 = arith.constant 4 : i32
        %mul3A_249 = arith.muli %scan3A_179, %mul3A_248 : i32
        %add3A_250 = arith.constant 2 : i32
        %add3A_251 = arith.addi %mul3A_249, %add3A_250 : i32
        %get3A_252 = arith.index_cast %add3A_251 : i32 to index
        %get3A_253 = arith.constant 0 : index
        %get3A_254 = tpu.vector_load %arg12[%get3A_252, %get3A_253] {strides = array<i32>} : memref<128x32xi32, #tpu.memory_space<vmem>>, vector<16xi32>,
        %shift_left3A_255 = arith.constant 16 : i32
        %shift_left3A_256 = vector.broadcast %shift_left3A_255 : i32 to vector<16xi32>
        %shift_left3A_257 = arith.shli %get3A_254, %shift_left3A_256 : vector<16xi32>
        %bitcast3A_258 = vector.bitcast %shift_left3A_257 : vector<16xi32> to vector<16xf32>
        %and3A_259 = vector.broadcast %scan3A_20 : i32 to vector<16xi32>
        %and3A_260 = arith.andi %get3A_254, %and3A_259 : vector<16xi32>
        %bitcast3A_261 = vector.bitcast %and3A_260 : vector<16xi32> to vector<16xf32>
        %swap3A_262 = arith.index_cast %add3A_251 : i32 to index
        %swap3A_263 = arith.constant 0 : index
        %swap3A_264 = tpu.vector_load %arg14[%swap3A_262, %swap3A_263] {strides = array<i32>} : memref<128x64xf32, #tpu.memory_space<vmem>>, vector<16xf32>,
        tpu.vector_store %arg14[%swap3A_262, %swap3A_263], %bitcast3A_258 {strides = array<i32>} : memref<128x64xf32, #tpu.memory_space<vmem>>, vector<16xf32>,
        %swap3A_265 = arith.index_cast %add3A_251 : i32 to index
        %swap3A_266 = arith.constant 16 : index
        %swap3A_267 = tpu.vector_load %arg14[%swap3A_265, %swap3A_266] {strides = array<i32>} : memref<128x64xf32, #tpu.memory_space<vmem>>, vector<16xf32>,
        tpu.vector_store %arg14[%swap3A_265, %swap3A_266], %bitcast3A_261 {strides = array<i32>} : memref<128x64xf32, #tpu.memory_space<vmem>>, vector<16xf32>,
        %get3A_268 = arith.index_cast %add3A_251 : i32 to index
        %get3A_269 = arith.constant 16 : index
        %get3A_270 = tpu.vector_load %arg12[%get3A_268, %get3A_269] {strides = array<i32>} : memref<128x32xi32, #tpu.memory_space<vmem>>, vector<16xi32>,
        %shift_left3A_271 = arith.constant 16 : i32
        %shift_left3A_272 = vector.broadcast %shift_left3A_271 : i32 to vector<16xi32>
        %shift_left3A_273 = arith.shli %get3A_270, %shift_left3A_272 : vector<16xi32>
        %bitcast3A_274 = vector.bitcast %shift_left3A_273 : vector<16xi32> to vector<16xf32>
        %and3A_275 = vector.broadcast %scan3A_20 : i32 to vector<16xi32>
        %and3A_276 = arith.andi %get3A_270, %and3A_275 : vector<16xi32>
        %bitcast3A_277 = vector.bitcast %and3A_276 : vector<16xi32> to vector<16xf32>
        %swap3A_278 = arith.index_cast %add3A_251 : i32 to index
        %swap3A_279 = arith.constant 32 : index
        %swap3A_280 = tpu.vector_load %arg14[%swap3A_278, %swap3A_279] {strides = array<i32>} : memref<128x64xf32, #tpu.memory_space<vmem>>, vector<16xf32>,
        tpu.vector_store %arg14[%swap3A_278, %swap3A_279], %bitcast3A_274 {strides = array<i32>} : memref<128x64xf32, #tpu.memory_space<vmem>>, vector<16xf32>,
        %swap3A_281 = arith.index_cast %add3A_251 : i32 to index
        %swap3A_282 = arith.constant 48 : index
        %swap3A_283 = tpu.vector_load %arg14[%swap3A_281, %swap3A_282] {strides = array<i32>} : memref<128x64xf32, #tpu.memory_space<vmem>>, vector<16xf32>,
        tpu.vector_store %arg14[%swap3A_281, %swap3A_282], %bitcast3A_277 {strides = array<i32>} : memref<128x64xf32, #tpu.memory_space<vmem>>, vector<16xf32>,
        %mul3A_284 = arith.constant 4 : i32
        %mul3A_285 = arith.muli %scan3A_179, %mul3A_284 : i32
        %add3A_286 = arith.constant 3 : i32
        %add3A_287 = arith.addi %mul3A_285, %add3A_286 : i32
        %get3A_288 = arith.index_cast %add3A_287 : i32 to index
        %get3A_289 = arith.constant 0 : index
        %get3A_290 = tpu.vector_load %arg12[%get3A_288, %get3A_289] {strides = array<i32>} : memref<128x32xi32, #tpu.memory_space<vmem>>, vector<16xi32>,
        %shift_left3A_291 = arith.constant 16 : i32
        %shift_left3A_292 = vector.broadcast %shift_left3A_291 : i32 to vector<16xi32>
        %shift_left3A_293 = arith.shli %get3A_290, %shift_left3A_292 : vector<16xi32>
        %bitcast3A_294 = vector.bitcast %shift_left3A_293 : vector<16xi32> to vector<16xf32>
        %and3A_295 = vector.broadcast %scan3A_20 : i32 to vector<16xi32>
        %and3A_296 = arith.andi %get3A_290, %and3A_295 : vector<16xi32>
        %bitcast3A_297 = vector.bitcast %and3A_296 : vector<16xi32> to vector<16xf32>
        %swap3A_298 = arith.index_cast %add3A_287 : i32 to index
        %swap3A_299 = arith.constant 0 : index
        %swap3A_300 = tpu.vector_load %arg14[%swap3A_298, %swap3A_299] {strides = array<i32>} : memref<128x64xf32, #tpu.memory_space<vmem>>, vector<16xf32>,
        tpu.vector_store %arg14[%swap3A_298, %swap3A_299], %bitcast3A_294 {strides = array<i32>} : memref<128x64xf32, #tpu.memory_space<vmem>>, vector<16xf32>,
        %swap3A_301 = arith.index_cast %add3A_287 : i32 to index
        %swap3A_302 = arith.constant 16 : index
        %swap3A_303 = tpu.vector_load %arg14[%swap3A_301, %swap3A_302] {strides = array<i32>} : memref<128x64xf32, #tpu.memory_space<vmem>>, vector<16xf32>,
        tpu.vector_store %arg14[%swap3A_301, %swap3A_302], %bitcast3A_297 {strides = array<i32>} : memref<128x64xf32, #tpu.memory_space<vmem>>, vector<16xf32>,
        %get3A_304 = arith.index_cast %add3A_287 : i32 to index
        %get3A_305 = arith.constant 16 : index
        %get3A_306 = tpu.vector_load %arg12[%get3A_304, %get3A_305] {strides = array<i32>} : memref<128x32xi32, #tpu.memory_space<vmem>>, vector<16xi32>,
        %shift_left3A_307 = arith.constant 16 : i32
        %shift_left3A_308 = vector.broadcast %shift_left3A_307 : i32 to vector<16xi32>
        %shift_left3A_309 = arith.shli %get3A_306, %shift_left3A_308 : vector<16xi32>
        %bitcast3A_310 = vector.bitcast %shift_left3A_309 : vector<16xi32> to vector<16xf32>
        %and3A_311 = vector.broadcast %scan3A_20 : i32 to vector<16xi32>
        %and3A_312 = arith.andi %get3A_306, %and3A_311 : vector<16xi32>
        %bitcast3A_313 = vector.bitcast %and3A_312 : vector<16xi32> to vector<16xf32>
        %swap3A_314 = arith.index_cast %add3A_287 : i32 to index
        %swap3A_315 = arith.constant 32 : index
        %swap3A_316 = tpu.vector_load %arg14[%swap3A_314, %swap3A_315] {strides = array<i32>} : memref<128x64xf32, #tpu.memory_space<vmem>>, vector<16xf32>,
        tpu.vector_store %arg14[%swap3A_314, %swap3A_315], %bitcast3A_310 {strides = array<i32>} : memref<128x64xf32, #tpu.memory_space<vmem>>, vector<16xf32>,
        %swap3A_317 = arith.index_cast %add3A_287 : i32 to index
        %swap3A_318 = arith.constant 48 : index
        %swap3A_319 = tpu.vector_load %arg14[%swap3A_317, %swap3A_318] {strides = array<i32>} : memref<128x64xf32, #tpu.memory_space<vmem>>, vector<16xf32>,
        tpu.vector_store %arg14[%swap3A_317, %swap3A_318], %bitcast3A_313 {strides = array<i32>} : memref<128x64xf32, #tpu.memory_space<vmem>>, vector<16xf32>,
      }
      %scan3A_127 = arith.constant 32 : i32
      %lt3A_128 = arith.constant 39 : i32
      %lt3A_129 = arith.cmpi slt, %scan3A_40, %lt3A_128 : i32
      %convert_element_type3A_130 = arith.extui %lt3A_129 : i1 to i32
      %cond3A_131 = arith.constant 0 : i32
      %cond3A_132 = arith.cmpi ne, %convert_element_type3A_130, %cond3A_131 : i32
      scf.if %cond3A_132 {
        %add3A_179 = arith.constant 2 : i32
        %add3A_180 = arith.addi %add3A_110, %add3A_179 : i32
        %dma_start3A_181 = arith.constant 0 : i32
        %dma_start3A_182 = tpu.memref_slice %arg9[%add3A_180, %dma_start3A_181] : memref<80x128xi32, #tpu.memory_space<vmem>> -> memref<1x128xi32, #tpu.memory_space<vmem>>
        %dma_start3A_183 = tpu.memref_squeeze %dma_start3A_182 : memref<1x128xi32, #tpu.memory_space<vmem>> -> memref<128xi32, #tpu.memory_space<vmem>>
        %dma_start3A_184 = arith.constant 0 : i32
        %dma_start3A_185 = arith.constant 0 : i32
        %dma_start3A_186 = tpu.memref_slice %arg16[%dma_start3A_184, %dma_start3A_185] : memref<10000x32xi32, #tpu.memory_space<vmem_shared>> -> memref<10000x32xi32, #tpu.memory_space<vmem_shared>>
        tpu.enqueue_indirect_dma source(%dma_start3A_186 : memref<10000x32xi32, #tpu.memory_space<vmem_shared>>) target(%arg12 : memref<128x32xi32, #tpu.memory_space<vmem>>) offsets(%dma_start3A_183 : memref<128xi32, #tpu.memory_space<vmem>>) semaphore(%arg19 : memref<!tpu.dma_semaphore, #tpu.memory_space<semaphore_mem>>)
      } else {
      }
      %dma_start3A_133 = arith.constant 0 : i32
      %dma_start3A_134 = tpu.memref_slice %arg10[%add3A_110, %dma_start3A_133] : memref<80x128xi32, #tpu.memory_space<vmem>> -> memref<1x128xi32, #tpu.memory_space<vmem>>
      %dma_start3A_135 = tpu.memref_squeeze %dma_start3A_134 : memref<1x128xi32, #tpu.memory_space<vmem>> -> memref<128xi32, #tpu.memory_space<vmem>>
      %dma_start3A_136 = arith.constant 0 : i32
      %dma_start3A_137 = arith.constant 0 : i32
      %dma_start3A_138 = tpu.memref_slice %arg17[%dma_start3A_136, %dma_start3A_137] : memref<10112x64xf32, #tpu.memory_space<vmem_shared>> -> memref<10112x64xf32, #tpu.memory_space<vmem_shared>>
      tpu.enqueue_indirect_dma source(%arg14 : memref<128x64xf32, #tpu.memory_space<vmem>>) target(%dma_start3A_138 : memref<10112x64xf32, #tpu.memory_space<vmem_shared>>) offsets(%dma_start3A_135 : memref<128xi32, #tpu.memory_space<vmem>>) semaphore(%arg21 : memref<!tpu.dma_semaphore, #tpu.memory_space<semaphore_mem>>) {add = true}
      %get3A_139 = arith.index_cast %add3A_110 : i32 to index
      %get3A_140 = arith.constant 0 : index
      %get3A_141 = tpu.vector_load %arg10[%get3A_139, %get3A_140] {strides = array<i32>} : memref<80x128xi32, #tpu.memory_space<vmem>>, vector<16xi32>,
      %broadcast_in_dim3A_142 = arith.constant 1.000000e+00 : f32
      %broadcast_in_dim3A_143 = vector.broadcast %broadcast_in_dim3A_142 : f32 to vector<16xf32>
      tpu.vector_store_idx %arg15[%get3A_141], %broadcast_in_dim3A_143 {add = true} : memref<10112xf32, #tpu.memory_space<vmem>>[vector<16xi32>], vector<16xf32>,
      %get3A_144 = arith.index_cast %add3A_110 : i32 to index
      %get3A_145 = arith.constant 16 : index
      %get3A_146 = tpu.vector_load %arg10[%get3A_144, %get3A_145] {strides = array<i32>} : memref<80x128xi32, #tpu.memory_space<vmem>>, vector<16xi32>,
      %broadcast_in_dim3A_147 = arith.constant 1.000000e+00 : f32
      %broadcast_in_dim3A_148 = vector.broadcast %broadcast_in_dim3A_147 : f32 to vector<16xf32>
      tpu.vector_store_idx %arg15[%get3A_146], %broadcast_in_dim3A_148 {add = true} : memref<10112xf32, #tpu.memory_space<vmem>>[vector<16xi32>], vector<16xf32>,
      %get3A_149 = arith.index_cast %add3A_110 : i32 to index
      %get3A_150 = arith.constant 32 : index
      %get3A_151 = tpu.vector_load %arg10[%get3A_149, %get3A_150] {strides = array<i32>} : memref<80x128xi32, #tpu.memory_space<vmem>>, vector<16xi32>,
      %broadcast_in_dim3A_152 = arith.constant 1.000000e+00 : f32
      %broadcast_in_dim3A_153 = vector.broadcast %broadcast_in_dim3A_152 : f32 to vector<16xf32>
      tpu.vector_store_idx %arg15[%get3A_151], %broadcast_in_dim3A_153 {add = true} : memref<10112xf32, #tpu.memory_space<vmem>>[vector<16xi32>], vector<16xf32>,
      %get3A_154 = arith.index_cast %add3A_110 : i32 to index
      %get3A_155 = arith.constant 48 : index
      %get3A_156 = tpu.vector_load %arg10[%get3A_154, %get3A_155] {strides = array<i32>} : memref<80x128xi32, #tpu.memory_space<vmem>>, vector<16xi32>,
      %broadcast_in_dim3A_157 = arith.constant 1.000000e+00 : f32
      %broadcast_in_dim3A_158 = vector.broadcast %broadcast_in_dim3A_157 : f32 to vector<16xf32>
      tpu.vector_store_idx %arg15[%get3A_156], %broadcast_in_dim3A_158 {add = true} : memref<10112xf32, #tpu.memory_space<vmem>>[vector<16xi32>], vector<16xf32>,
      %get3A_159 = arith.index_cast %add3A_110 : i32 to index
      %get3A_160 = arith.constant 64 : index
      %get3A_161 = tpu.vector_load %arg10[%get3A_159, %get3A_160] {strides = array<i32>} : memref<80x128xi32, #tpu.memory_space<vmem>>, vector<16xi32>,
      %broadcast_in_dim3A_162 = arith.constant 1.000000e+00 : f32
      %broadcast_in_dim3A_163 = vector.broadcast %broadcast_in_dim3A_162 : f32 to vector<16xf32>
      tpu.vector_store_idx %arg15[%get3A_161], %broadcast_in_dim3A_163 {add = true} : memref<10112xf32, #tpu.memory_space<vmem>>[vector<16xi32>], vector<16xf32>,
      %get3A_164 = arith.index_cast %add3A_110 : i32 to index
      %get3A_165 = arith.constant 80 : index
      %get3A_166 = tpu.vector_load %arg10[%get3A_164, %get3A_165] {strides = array<i32>} : memref<80x128xi32, #tpu.memory_space<vmem>>, vector<16xi32>,
      %broadcast_in_dim3A_167 = arith.constant 1.000000e+00 : f32
      %broadcast_in_dim3A_168 = vector.broadcast %broadcast_in_dim3A_167 : f32 to vector<16xf32>
      tpu.vector_store_idx %arg15[%get3A_166], %broadcast_in_dim3A_168 {add = true} : memref<10112xf32, #tpu.memory_space<vmem>>[vector<16xi32>], vector<16xf32>,
      %get3A_169 = arith.index_cast %add3A_110 : i32 to index
      %get3A_170 = arith.constant 96 : index
      %get3A_171 = tpu.vector_load %arg10[%get3A_169, %get3A_170] {strides = array<i32>} : memref<80x128xi32, #tpu.memory_space<vmem>>, vector<16xi32>,
      %broadcast_in_dim3A_172 = arith.constant 1.000000e+00 : f32
      %broadcast_in_dim3A_173 = vector.broadcast %broadcast_in_dim3A_172 : f32 to vector<16xf32>
      tpu.vector_store_idx %arg15[%get3A_171], %broadcast_in_dim3A_173 {add = true} : memref<10112xf32, #tpu.memory_space<vmem>>[vector<16xi32>], vector<16xf32>,
      %get3A_174 = arith.index_cast %add3A_110 : i32 to index
      %get3A_175 = arith.constant 112 : index
      %get3A_176 = tpu.vector_load %arg10[%get3A_174, %get3A_175] {strides = array<i32>} : memref<80x128xi32, #tpu.memory_space<vmem>>, vector<16xi32>,
      %broadcast_in_dim3A_177 = arith.constant 1.000000e+00 : f32
      %broadcast_in_dim3A_178 = vector.broadcast %broadcast_in_dim3A_177 : f32 to vector<16xf32>
      tpu.vector_store_idx %arg15[%get3A_176], %broadcast_in_dim3A_178 {add = true} : memref<10112xf32, #tpu.memory_space<vmem>>[vector<16xi32>], vector<16xf32>,
    }
    %scan3A_25 = arith.constant 40 : i32
    %dma_wait3A = arith.constant 78 : i32
    %dma_wait3A_26 = arith.constant 0 : i32
    %dma_wait3A_27 = tpu.memref_slice %arg10[%dma_wait3A, %dma_wait3A_26] : memref<80x128xi32, #tpu.memory_space<vmem>> -> memref<1x128xi32, #tpu.memory_space<vmem>>
    %dma_wait3A_28 = tpu.memref_squeeze %dma_wait3A_27 : memref<1x128xi32, #tpu.memory_space<vmem>> -> memref<128xi32, #tpu.memory_space<vmem>>
    %dma_wait3A_29 = arith.constant 0 : i32
    %dma_wait3A_30 = arith.constant 0 : i32
    %dma_wait3A_31 = tpu.memref_slice %arg17[%dma_wait3A_29, %dma_wait3A_30] : memref<10112x64xf32, #tpu.memory_space<vmem_shared>> -> memref<10112x64xf32, #tpu.memory_space<vmem_shared>>
    tpu.wait_indirect_dma semaphore(%arg20 : memref<!tpu.dma_semaphore, #tpu.memory_space<semaphore_mem>>) src(%arg13 : memref<128x64xf32, #tpu.memory_space<vmem>>) dst(%dma_wait3A_31 : memref<10112x64xf32, #tpu.memory_space<vmem_shared>>)
    %dma_wait3A_32 = arith.constant 79 : i32
    %dma_wait3A_33 = arith.constant 0 : i32
    %dma_wait3A_34 = tpu.memref_slice %arg10[%dma_wait3A_32, %dma_wait3A_33] : memref<80x128xi32, #tpu.memory_space<vmem>> -> memref<1x128xi32, #tpu.memory_space<vmem>>
    %dma_wait3A_35 = tpu.memref_squeeze %dma_wait3A_34 : memref<1x128xi32, #tpu.memory_space<vmem>> -> memref<128xi32, #tpu.memory_space<vmem>>
    %dma_wait3A_36 = arith.constant 0 : i32
    %dma_wait3A_37 = arith.constant 0 : i32
    %dma_wait3A_38 = tpu.memref_slice %arg17[%dma_wait3A_36, %dma_wait3A_37] : memref<10112x64xf32, #tpu.memory_space<vmem_shared>> -> memref<10112x64xf32, #tpu.memory_space<vmem_shared>>
    tpu.wait_indirect_dma semaphore(%arg21 : memref<!tpu.dma_semaphore, #tpu.memory_space<semaphore_mem>>) src(%arg14 : memref<128x64xf32, #tpu.memory_space<vmem>>) dst(%dma_wait3A_38 : memref<10112x64xf32, #tpu.memory_space<vmem_shared>>)
    %barrier3A_39 = arith.constant 0 : index
    tpu.barrier barrier_id(%barrier3A_39)
    "tpu.region"() ({
      %run_scoped3A = tpu.sem_alloc : memref<!tpu.dma_semaphore, #tpu.memory_space<semaphore_mem>>
      %dma_start3A_40 = arith.constant 0 : i32
      %dma_start3A_41 = tpu.memref_slice %arg7[%arg0, %mul3A_2, %dma_start3A_40] : memref<2x10112x64xf32, #tpu.memory_space<hbm>> -> memref<1x632x64xf32, #tpu.memory_space<hbm>>
      %dma_start3A_42 = tpu.memref_squeeze %dma_start3A_41 : memref<1x632x64xf32, #tpu.memory_space<hbm>> -> memref<632x64xf32, #tpu.memory_space<hbm>>
      %dma_start3A_43 = arith.constant 0 : i32
      %dma_start3A_44 = tpu.memref_slice %arg17[%mul3A_2, %dma_start3A_43] : memref<10112x64xf32, #tpu.memory_space<vmem_shared>> -> memref<632x64xf32, #tpu.memory_space<vmem_shared>>
      tpu.enqueue_dma source(%dma_start3A_44 : memref<632x64xf32, #tpu.memory_space<vmem_shared>>) target(%dma_start3A_42 : memref<632x64xf32, #tpu.memory_space<hbm>>) target_semaphore(%run_scoped3A : memref<!tpu.dma_semaphore, #tpu.memory_space<semaphore_mem>>)
      %dma_wait3A_45 = arith.constant 0 : i32
      %dma_wait3A_46 = tpu.memref_slice %arg7[%arg0, %mul3A_2, %dma_wait3A_45] : memref<2x10112x64xf32, #tpu.memory_space<hbm>> -> memref<1x632x64xf32, #tpu.memory_space<hbm>>
      %dma_wait3A_47 = tpu.memref_squeeze %dma_wait3A_46 : memref<1x632x64xf32, #tpu.memory_space<hbm>> -> memref<632x64xf32, #tpu.memory_space<hbm>>
      %dma_wait3A_48 = arith.constant 0 : i32
      %dma_wait3A_49 = tpu.memref_slice %arg17[%mul3A_2, %dma_wait3A_48] : memref<10112x64xf32, #tpu.memory_space<vmem_shared>> -> memref<632x64xf32, #tpu.memory_space<vmem_shared>>
      tpu.wait_dma2 semaphore(%run_scoped3A : memref<!tpu.dma_semaphore, #tpu.memory_space<semaphore_mem>>) src(%dma_wait3A_49 : memref<632x64xf32, #tpu.memory_space<vmem_shared>>) dst(%dma_wait3A_47 : memref<632x64xf32, #tpu.memory_space<hbm>>)
      tpu.yield
    }) : () -> ()
    "tpu.region"() ({
      %run_scoped3A = tpu.sem_alloc : memref<!tpu.dma_semaphore, #tpu.memory_space<semaphore_mem>>
      %dma_start3A_40 = arith.constant 0 : i32
      %dma_start3A_41 = tpu.memref_slice %arg8[%add3A, %dma_start3A_40] : memref<32x10112xf32, #tpu.memory_space<hbm>> -> memref<1x10112xf32, #tpu.memory_space<hbm>>
      %dma_start3A_42 = tpu.memref_squeeze %dma_start3A_41 : memref<1x10112xf32, #tpu.memory_space<hbm>> -> memref<10112xf32, #tpu.memory_space<hbm>>
      %dma_start3A_43 = arith.constant 0 : i32
      %dma_start3A_44 = tpu.memref_slice %arg8[%add3A, %dma_start3A_43] : memref<32x10112xf32, #tpu.memory_space<hbm>> -> memref<1x10112xf32, #tpu.memory_space<hbm>>
      %dma_start3A_45 = tpu.memref_squeeze %dma_start3A_44 : memref<1x10112xf32, #tpu.memory_space<hbm>> -> memref<10112xf32, #tpu.memory_space<hbm>>
      tpu.enqueue_dma source(%arg15 : memref<10112xf32, #tpu.memory_space<vmem>>) target(%dma_start3A_45 : memref<10112xf32, #tpu.memory_space<hbm>>) target_semaphore(%run_scoped3A : memref<!tpu.dma_semaphore, #tpu.memory_space<semaphore_mem>>)
      %dma_wait3A_46 = arith.constant 0 : i32
      %dma_wait3A_47 = tpu.memref_slice %arg8[%add3A, %dma_wait3A_46] : memref<32x10112xf32, #tpu.memory_space<hbm>> -> memref<1x10112xf32, #tpu.memory_space<hbm>>
      %dma_wait3A_48 = tpu.memref_squeeze %dma_wait3A_47 : memref<1x10112xf32, #tpu.memory_space<hbm>> -> memref<10112xf32, #tpu.memory_space<hbm>>
      %dma_wait3A_49 = arith.constant 0 : i32
      %dma_wait3A_50 = tpu.memref_slice %arg8[%add3A, %dma_wait3A_49] : memref<32x10112xf32, #tpu.memory_space<hbm>> -> memref<1x10112xf32, #tpu.memory_space<hbm>>
      %dma_wait3A_51 = tpu.memref_squeeze %dma_wait3A_50 : memref<1x10112xf32, #tpu.memory_space<hbm>> -> memref<10112xf32, #tpu.memory_space<hbm>>
      tpu.wait_dma2 semaphore(%run_scoped3A : memref<!tpu.dma_semaphore, #tpu.memory_space<semaphore_mem>>) src(%arg15 : memref<10112xf32, #tpu.memory_space<vmem>>) dst(%dma_wait3A_51 : memref<10112xf32, #tpu.memory_space<hbm>>)
      tpu.yield
    }) : () -> ()
    return
  }
}

module attributes {stable_mosaic.version = 14 : i64} {
  func.func @_proj_body(%arg0: memref<10000x128xf32, #tpu.memory_space<vmem>>, %arg1: memref<64x128xf32, #tpu.memory_space<vmem>>, %arg2: memref<10000x64xbf16, #tpu.memory_space<vmem>>) attributes {dimension_semantics = [], scalar_prefetch = 0 : i64, scratch_operands = 0 : i64, tpu.core_type = #tpu.core_type<tc>} {
    %get3A = arith.constant 0 : index
    %get3A_0 = arith.constant 0 : index
    %get3A_1 = vector.load %arg0[%get3A, %get3A_0] : memref<10000x128xf32, #tpu.memory_space<vmem>>, vector<10000x128xf32>
    %get3A_2 = arith.constant 0 : index
    %get3A_3 = arith.constant 0 : index
    %get3A_4 = vector.load %arg1[%get3A_2, %get3A_3] : memref<64x128xf32, #tpu.memory_space<vmem>>, vector<64x128xf32>
    %dot_general3A = arith.constant dense<0.000000e+00> : vector<10000x64xf32>
    %dot_general3A_5 = tpu.matmul %get3A_1, %get3A_4, %dot_general3A {dimension_numbers = #tpu.dot_dimension_numbers<[1], [1], [0], [0], [0, 0, 1, 0], [], []>, transpose_lhs_hint = false} : vector<10000x128xf32>, vector<64x128xf32>, vector<10000x64xf32> -> vector<10000x64xf32>
    %convert_element_type3A = arith.truncf %dot_general3A_5 : vector<10000x64xf32> to vector<10000x64xbf16>
    %swap3A = arith.constant 0 : index
    %swap3A_6 = arith.constant 0 : index
    %swap3A_7 = vector.load %arg2[%swap3A, %swap3A_6] : memref<10000x64xbf16, #tpu.memory_space<vmem>>, vector<10000x64xbf16>
    tpu.vector_store %arg2[%swap3A, %swap3A_6], %convert_element_type3A {strides = array<i32>} : memref<10000x64xbf16, #tpu.memory_space<vmem>>, vector<10000x64xbf16>,
    return
  }
}

module attributes {stable_mosaic.version = 14 : i64} {
  func.func @_post_body(%arg0: memref<2x10112x64xf32, #tpu.memory_space<vmem>>, %arg1: memref<32x10112xf32, #tpu.memory_space<vmem>>, %arg2: memref<10000x128xf32, #tpu.memory_space<vmem>>, %arg3: memref<64x128xf32, #tpu.memory_space<vmem>>, %arg4: memref<1x64xf32, #tpu.memory_space<vmem>>, %arg5: memref<64x1xf32, #tpu.memory_space<vmem>>, %arg6: memref<1x1xf32, #tpu.memory_space<smem>>, %arg7: memref<10000x1xf32, #tpu.memory_space<vmem>>) attributes {dimension_semantics = [], scalar_prefetch = 0 : i64, scratch_operands = 0 : i64, tpu.core_type = #tpu.core_type<tc>} {
    %get3A = arith.constant 0 : index
    %get3A_0 = arith.constant 0 : index
    %get3A_1 = arith.constant 0 : index
    %get3A_2 = vector.load %arg0[%get3A, %get3A_0, %get3A_1] : memref<2x10112x64xf32, #tpu.memory_space<vmem>>, vector<1x10000x64xf32>
    %get3A_3 = vector.shape_cast %get3A_2 : vector<1x10000x64xf32> to vector<10000x64xf32>
    %get3A_4 = arith.constant 1 : index
    %get3A_5 = arith.constant 0 : index
    %get3A_6 = arith.constant 0 : index
    %get3A_7 = vector.load %arg0[%get3A_4, %get3A_5, %get3A_6] : memref<2x10112x64xf32, #tpu.memory_space<vmem>>, vector<1x10000x64xf32>
    %get3A_8 = vector.shape_cast %get3A_7 : vector<1x10000x64xf32> to vector<10000x64xf32>
    %add3A = arith.addf %get3A_3, %get3A_8 : vector<10000x64xf32>
    %get3A_9 = arith.constant 0 : index
    %get3A_10 = arith.constant 0 : index
    %get3A_11 = vector.load %arg1[%get3A_9, %get3A_10] : memref<32x10112xf32, #tpu.memory_space<vmem>>, vector<32x10112xf32>
    %reduce_sum3A = arith.constant dense<0.000000e+00> : vector<10112xf32>
    %reduce_sum3A_12 = vector.multi_reduction <add>, %get3A_11, %reduce_sum3A [0] : vector<32x10112xf32> to vector<10112xf32>
    %broadcast_in_dim3A = vector.shape_cast %reduce_sum3A_12 : vector<10112xf32> to vector<1x10112xf32>
    %transpose3A = tpu.transpose %broadcast_in_dim3A, [1, 0] : vector<1x10112xf32> -> vector<10112x1xf32>
    %slice3A = vector.extract_strided_slice %transpose3A {offsets = [0, 0], sizes = [10000, 1], strides = [1, 1]} : vector<10112x1xf32> to vector<10000x1xf32>
    %max3A = arith.constant 1.000000e+00 : f32
    %max3A_13 = vector.broadcast %max3A : f32 to vector<10000x1xf32>
    %max3A_14 = arith.maximumf %slice3A, %max3A_13 : vector<10000x1xf32>
    %get3A_15 = arith.constant 0 : index
    %get3A_16 = arith.constant 0 : index
    %get3A_17 = vector.load %arg2[%get3A_15, %get3A_16] : memref<10000x128xf32, #tpu.memory_space<vmem>>, vector<10000x128xf32>
    %get3A_18 = arith.constant 0 : index
    %get3A_19 = arith.constant 0 : index
    %get3A_20 = vector.load %arg3[%get3A_18, %get3A_19] : memref<64x128xf32, #tpu.memory_space<vmem>>, vector<64x128xf32>
    %dot_general3A = arith.constant dense<0.000000e+00> : vector<10000x64xf32>
    %dot_general3A_21 = tpu.matmul %get3A_17, %get3A_20, %dot_general3A {dimension_numbers = #tpu.dot_dimension_numbers<[1], [1], [0], [0], [0, 0, 1, 0], [], []>, transpose_lhs_hint = false} : vector<10000x128xf32>, vector<64x128xf32>, vector<10000x64xf32> -> vector<10000x64xf32>
    %div3A = vector.broadcast %max3A_14 : vector<10000x1xf32> to vector<10000x64xf32>
    %div3A_22 = arith.divf %add3A, %div3A : vector<10000x64xf32>
    %get3A_23 = arith.constant 0 : index
    %get3A_24 = arith.constant 0 : index
    %get3A_25 = vector.load %arg4[%get3A_23, %get3A_24] : memref<1x64xf32, #tpu.memory_space<vmem>>, vector<1x64xf32>
    %add3A_26 = vector.broadcast %get3A_25 : vector<1x64xf32> to vector<10000x64xf32>
    %add3A_27 = arith.addf %div3A_22, %add3A_26 : vector<10000x64xf32>
    %add3A_28 = arith.addf %add3A_27, %dot_general3A_21 : vector<10000x64xf32>
    %max3A_29 = arith.constant 0.000000e+00 : f32
    %max3A_30 = vector.broadcast %max3A_29 : f32 to vector<10000x64xf32>
    %max3A_31 = arith.maximumf %add3A_28, %max3A_30 : vector<10000x64xf32>
    %get3A_32 = arith.constant 0 : index
    %get3A_33 = arith.constant 0 : index
    %get3A_34 = vector.load %arg5[%get3A_32, %get3A_33] : memref<64x1xf32, #tpu.memory_space<vmem>>, vector<64x1xf32>
    %dot_general3A_35 = arith.constant dense<0.000000e+00> : vector<10000x1xf32>
    %dot_general3A_36 = tpu.matmul %max3A_31, %get3A_34, %dot_general3A_35 {dimension_numbers = #tpu.dot_dimension_numbers<[1], [0], [0], [1], [0, 0, 1, 1], [], []>, transpose_lhs_hint = false} : vector<10000x64xf32>, vector<64x1xf32>, vector<10000x1xf32> -> vector<10000x1xf32>
    %get3A_37 = arith.constant 0 : index
    %get3A_38 = arith.constant 0 : index
    %get3A_39 = memref.load %arg6[%get3A_37, %get3A_38] : memref<1x1xf32, #tpu.memory_space<smem>>
    %add3A_40 = vector.broadcast %get3A_39 : f32 to vector<10000x1xf32>
    %add3A_41 = arith.addf %dot_general3A_36, %add3A_40 : vector<10000x1xf32>
    %swap3A = arith.constant 0 : index
    %swap3A_42 = arith.constant 0 : index
    %swap3A_43 = vector.load %arg7[%swap3A, %swap3A_42] : memref<10000x1xf32, #tpu.memory_space<vmem>>, vector<10000x1xf32>
    tpu.vector_store %arg7[%swap3A, %swap3A_42], %add3A_41 {strides = array<i32>} : memref<10000x1xf32, #tpu.memory_space<vmem>>, vector<10000x1xf32>,
    return
  }
}

</mosaic_0001>

<sc_bundles>
// kernel: kernel.5.cloned.1.call-start
scs
__scs_entry_jumppad:
0x0: {  	(pc) =	sbr.rel $0x88, $3  }
0x1: {  	(tag) =	ssettag $0x0;
	lr =	simm.s32 $0x1  }
0x2: {  	[smem:$0x3F9A] =	sst lr;
	_ =	strace $0xD0000000  }
0x3: {  	_ = 	snop  }
0x4: {  	_ = 	snop  }
0x5: {  	_ = 	snop  }
0x6: {  	_ = 	snop  }
0x7: {  	_ = 	snop  }
__scs_overlays_trampoline_lowered:
0x8: {  	[smem:$0x3FA9] =	sst s0  }
0x9: {  	[smem:$0x3FAA] =	sst s1  }
0xa: {  	[smem:$0x3FAB] =	sst s2  }
0xb: {  	[smem:$0x3FAC] =	sst s3  }
0xc: {  	[smem:$0x3FAD] =	sst s4  }
0xd: {  	[smem:$0x3FAE] =	sst s5  }
0xe: {  	[smem:$0x3FAF] =	sst s6  }
0xf: {  	[smem:$0x3FB0] =	sst s7  }
0x10: {  	[smem:$0x3FB1] =	sst s8  }
0x11: {  	[smem:$0x3FB2] =	sst s9;
	s0 =	simm.s32 @!p0 $0x0  }
0x12: {  	s1 =	sld [smem:$0x3F98];
	s0 =	simm.s32 @p0 $0x1  }
0x13: {  	[smem:$0x3FB3] =	sst s0;
	s0 =	simm.s32 @!p1 $0x0  }
0x14: {  	s2 =	sld [smem:$0x3F97];
	s0 =	simm.s32 @p1 $0x1  }
0x15: {  	[smem:$0x3FB4] =	sst s0;
	s0 =	simm.s32 @!p2 $0x0  }
0x16: {  	s3 =	sld [smem:$0x3FDB];
	s0 =	simm.s32 @p2 $0x1  }
0x17: {  	s4 =	simm.s32 $0x1BF5;
	[smem:$0x3FB6] =	sst s0  }
0x18: {  	s0 =	sld [smem:$0x3F99];
	_ =	swait.ge [sflag:s4], $0x0  }
0x19: {  	s7 =	sld [smem:$0x3F9A]  }
0x1a: {  	s8 =	sadd.s32 $0xFFFFE003, lr  }
0x1b: {  	s9 =	sadd.s32 $0xFFFFFEF7, lr;
	s5 =	simm.s32 $0xFFFFFFFF;
	p2 =	slt.u32 s8, $0xFFFFF086  }
0x1c: {  	p1 =	slt.u32 s9, $0xF7A;
	s5 =	simm.s32 @!p2 $0x0  }
0x1d: {  	s5 =	simm.s32 @p1 $0x1;
	p0 =	seq.s32 s7, s2  }
0x1e: {  	s7 =	smul.u32 @!p0 $0xF7A, s2;
	p2 =	seq.s32 @!p0 s5, $0x0  }
0x1f: {  	s9 =	smul.u32 $0xF7A, s1;
	s8 =	simm.s32 @!p0 $0x1BF5;
	p2 =	por !p2, p0  }
0x20: {  	[sflag:s8] =	ssyncset.s32 @!p0 $0xFFFFF086;
	s6 =	sadd.s32 @!p0 s3, s7;
	s7 =	simm.s32 @!p0 $0x108  }
0x21: {  	s3 =	sadd.s32 s3, s9;
	s6 =	sadd.s32 @!p0 $0x88, s6;
	s7 =	simm.s32 @p2 $0x1082  }
0x22: {  	[simem:s7], [sflag:s8] =	dma.local @!p0 [hbm:s6], $0xF7A  }
0x23: {  	s9 =	sor.u32 $0xD0000000, s2;
	s6 =	simm.s32 $0x108;
	_ =	swait.ge @!p0 [sflag:s8], $0x0  }
0x24: {  	s3 =	sadd.s32 $0x88, s3;
	s6 =	simm.s32 @!p1 $0x1082;
	[sflag:s4] =	ssyncset.s32 $0xFFFFF086  }
0x25: {  	[simem:s6], [sflag:s4] =	dma.local [hbm:s3], $0xF7A  }
0x26: {  	[smem:$0x3F9A] =	sst s1;
	(tag) =	ssettag s2;
	_ =	strace s9  }
0x27: {  	s1 =	sld [smem:$0x3FAA]  }
0x28: {  	s2 =	sld [smem:$0x3FAB]  }
0x29: {  	s4 =	sld [smem:$0x3FAD]  }
0x2a: {  	p0 =	seq.s32 s5, $0x0;
	s5 =	sld [smem:$0x3FAE]  }
0x2b: {  	s6 =	sld [smem:$0x3FAF]  }
0x2c: {  	s7 =	sld [smem:$0x3FB0]  }
0x2d: {  	s3 =	simm.s32 $0x108;
	s8 =	sld [smem:$0x3FB1]  }
0x2e: {  	s3 =	simm.s32 @!p0 $0x1082;
	s9 =	sld [smem:$0x3FB2]  }
0x2f: {  	lr =	sadd.s32 s0, s3;
	s0 =	sld [smem:$0x3FA9]  }
0x30: {  	s3 =	sld [smem:$0x3FAC]  }
0x31: {  	[smem:$0x3FB5] =	sst s10  }
0x32: {  	s10 =	sld [smem:$0x3FB3];
	_ =	sdelay $0x3  }
0x33: {  	p0 =	seq.s32 s10, $0x1;
	s10 =	sld [smem:$0x3FB5];
	_ =	sdelay $0x3  }
0x34: {  	[smem:$0x3FB5] =	sst s10  }
0x35: {  	s10 =	sld [smem:$0x3FB4];
	_ =	sdelay $0x3  }
0x36: {  	p1 =	seq.s32 s10, $0x1;
	s10 =	sld [smem:$0x3FB5];
	_ =	sdelay $0x3  }
0x37: {  	[smem:$0x3FB5] =	sst s10  }
0x38: {  	s10 =	sld [smem:$0x3FB6]  }
0x39: {  	_ = 	snop;
	(pc) =	sbr.ind lr, $3  }
0x3a: {  	_ = 	snop  }
0x3b: {  	_ = 	snop  }
0x3c: {  	p2 =	seq.s32 s10, $0x1;
	s10 =	sld [smem:$0x3FB5]  }
0x3d: {  	_ =	shalt  }
0x3e: {  	_ =	shalt  }
0x3f: {  	_ =	shalt  }
0x40: {  	_ =	shalt  }
0x41: {  	_ =	shalt  }
0x42: {  	_ =	shalt  }
0x43: {  	_ =	shalt  }
0x44: {  	_ =	shalt  }
0x45: {  	_ =	shalt  }
0x46: {  	_ =	shalt  }
0x47: {  	_ =	shalt  }
0x48: {  	_ =	shalt  }
0x49: {  	_ =	shalt  }
0x4a: {  	_ =	shalt  }
0x4b: {  	_ =	shalt  }
0x4c: {  	_ =	shalt  }
0x4d: {  	_ =	shalt  }
0x4e: {  	_ =	shalt  }
0x4f: {  	_ =	shalt  }
0x50: {  	_ =	shalt  }
0x51: {  	_ =	shalt  }
0x52: {  	_ =	shalt  }
0x53: {  	_ =	shalt  }
0x54: {  	_ =	shalt  }
0x55: {  	_ =	shalt  }
0x56: {  	_ =	shalt  }
0x57: {  	_ =	shalt  }
0x58: {  	_ =	shalt  }
0x59: {  	_ =	shalt  }
0x5a: {  	_ =	shalt  }
0x5b: {  	_ =	shalt  }
0x5c: {  	_ =	shalt  }
0x5d: {  	_ =	shalt  }
0x5e: {  	_ =	shalt  }
0x5f: {  	_ =	shalt  }
0x60: {  	_ =	shalt  }
0x61: {  	_ =	shalt  }
0x62: {  	_ =	shalt  }
0x63: {  	_ =	shalt  }
0x64: {  	_ =	shalt  }
0x65: {  	_ =	shalt  }
0x66: {  	_ =	shalt  }
0x67: {  	_ =	shalt  }
0x68: {  	_ =	shalt  }
0x69: {  	_ =	shalt  }
0x6a: {  	_ =	shalt  }
0x6b: {  	_ =	shalt  }
0x6c: {  	_ =	shalt  }
0x6d: {  	_ =	shalt  }
0x6e: {  	_ =	shalt  }
0x6f: {  	_ =	shalt  }
0x70: {  	_ =	shalt  }
0x71: {  	_ =	shalt  }
0x72: {  	_ =	shalt  }
0x73: {  	_ =	shalt  }
0x74: {  	_ =	shalt  }
0x75: {  	_ =	shalt  }
0x76: {  	_ =	shalt  }
0x77: {  	_ =	shalt  }
0x78: {  	_ =	shalt  }
0x79: {  	_ =	shalt  }
0x7a: {  	_ =	shalt  }
0x7b: {  	_ =	shalt  }
0x7c: {  	_ =	shalt  }
0x7d: {  	_ =	shalt  }
0x7e: {  	_ =	shalt  }
0x7f: {  	_ =	shalt  }
0x80: {  	_ =	shalt  }
0x81: {  	_ =	shalt  }
0x82: {  	_ =	shalt  }
0x83: {  	_ =	shalt  }
0x84: {  	_ =	shalt  }
0x85: {  	_ =	shalt  }
0x86: {  	_ =	shalt  }
0x87: {  	_ =	shalt  }
.Lfunc_end0:
.L_simem_size_0:
called_computation_lowered:
.L_overlay_start_0:
0x88: {  	s2 =	sld [smem:$0x3FD9]  }
0x89: {  	s3 =	sld [smem:$0x3FFE];
	_ =	sdelay $0x1  }
0x8a: {  	s1 =	srdreg.scid  }
0x8b: {  	s0 =	sand.u32 $0x1, s1  }
0x8c: {  	s17 =	sshll.u32 s0, $0xA;
	s2 =	sadd.s32 s3, s2  }
0x8d: {  	s2 =	sadd.s32 s2, s17  }
0x8e: {  	[smem:$0x3FC1] =	sst s2  }
0x8f: {  	_ = 	snop  }
0x90: {  	s2 =	sld [smem:$0x3FD0];
	(tm) =	ssettm $0x1  }
0x91: {  	s18 =	sld [smem:$0x3FFB];
	_ =	sdelay $0x3  }
0x92: {  	_ =	strace s18  }
0x93: {  	s3 =	sld [smem:$0x3FFC];
	_ =	sdelay $0x3  }
0x94: {  	_ =	strace s3  }
0x95: {  	s3 =	sld [smem:$0x3FFD];
	_ =	sdelay $0x3  }
0x96: {  	_ =	strace s3  }
0x97: {  	_ =	strace $0x8FFFFFFF  }
0x98: {  	s19 =	sld [smem:$0x3FDB];
	_ =	sdelay $0x1  }
0x99: {  	s4 =	simm.s32 $_scs_section_size  }
0x9a: {  	s5 =	simm.s32 $_size__tile_overlayer_lowered;
	s6 =	simm.s32 $_tile_overlayer_lowered  }
0x9b: {  	s22 =	simm.s32 $0x1BFF;
	s21 =	sshll.u32 s6, $0x1;
	s3 =	sadd.s32 s4, s19  }
0x9c: {  	s7 =	simm.s32 $0x0;
	s20 =	sshll.u32 s5, $0x1;
	s5 =	sadd.s32 s21, s3  }
0x9d: {  	[timem:s7], [sflag:s22] =	dma.local [hbm:s5], s20  }
0x9e: {  	_ =	swait.ge [sflag:s22], s20  }
0x9f: {  	s4 =	ssub.s32 $0x0, s20;
	[sflag:s22] =	ssyncset.done $0x0  }
0xa0: {  	[sflag:s22] =	ssyncadd.s32 s4;
	_ =	sdelay $0x1  }
0xa1: {  	s23 =	simm.s32 $0x1B8B  }
0xa2: {  	_ =	swait.ge [sflag:s23], $0x1  }
0xa3: {  	[sflag:s23] =	ssyncset.done $0x0  }
0xa4: {  	s25 =	simm.s32 $0x1B8E;
	s24 =	sld [smem:$0x3FFE];
	[sflag:s23] =	ssyncadd.s32 $0xFFFFFFFF  }
0xa5: {  	s26 =	simm.s32 $execute0_lowered;
	[smem:$0x3FD2] =	sst s25  }
0xa6: {  	s5 =	sshll.u32 s26, $0x1;
	_ =	strace $0x80000046;
	[dreg:$0x1] =	wrdreg $0xFFFFFFFF  }
0xa7: {  	s28 =	simm.s32 $_size_execute0_lowered;
	s3 =	sadd.s32 s3, s5;
	[dreg:$0x0] =	wrdreg $0x0  }
0xa8: {  	s5 =	sshll.u32 s28, $0x1;
	[dreg:$0x2] =	wrdreg s3  }
0xa9: {  	[dreg:$0x3] =	wrdreg s5  }
0xaa: {  	[dreg:$0x4] =	wrdreg $0xC0  }
0xab: {  	_ =	task [dreg:s7], $0x5FFFF  }
0xac: {  	[dreg:$0x1] =	wrdreg $0xFFFFFFFF  }
0xad: {  	[dreg:$0x0] =	wrdreg $0x60  }
0xae: {  	[dreg:$0x2] =	wrdreg s24  }
0xaf: {  	[dreg:$0x3] =	wrdreg s2  }
0xb0: {  	[dreg:$0x4] =	wrdreg $0xD7800  }
0xb1: {  	[dreg:$0x5] =	wrdreg $0x125A00  }
0xb2: {  	[dreg:$0x6] =	wrdreg $0x9  }
0xb3: {  	_ =	task.clear_ibuf [dreg:s7], $0x7FFFF;
	_ =	strace $0x90000046  }
0xb4: {  	s29 =	simm.s32 $0x9;
	_ =	strace $0x80000048  }
0xb5: {  	_ =	swait.ge [sflag:s29], $0x1  }
0xb6: {  	[sflag:s29] =	ssyncadd.s32 $0xFFFFFFFF  }
0xb7: {  	_ =	strace $0x90000048  }
0xb8: {  	_ =	sfence  }
0xb9: {  	s30 =	sld [smem:$0x0];
	_ =	sdelay $0x2  }
0xba: {  	s31 =	sshll.u32 s1, $0xD;
	s1 =	sshrl.u32 s1, $0x2  }
0xbb: {  	s3 =	sand.u32 $0x4000, s31;
	s1 =	sadd.s32 s1, s30  }
0xbc: {  	s0 =	sor.u32 s3, s0;
	s1 =	sshll.u32 s1, $0x11  }
0xbd: {  	s0 =	sor.u32 s1, s0  }
0xbe: {  	s0 =	sadd.s32 $0x8F2B, s0  }
0xbf: {  	[sflag:s0] =	ssyncadd.remote.s32 $0x1  }
0xc0: {  	_ =	sfence.sel $0xFFFF  }
0xc1: {  	[dreg:$0x0] =	wrdreg $0xFFFFFFFF;
	(pc) =	sbr.abs _section_cstart, $3  }
0xc2: {  	[dreg:$0x1] =	wrdreg $0xFFFFFFFF  }
0xc3: {  	_ =	task.clear_ibuf [dreg:s7], $0x2FFFF;
	_ =	strace $0x9FFFFFFF  }
0xc4: {  	(tm) =	ssettm $0x7FFFFFFF  }
0xc5: {  	_ =	shalt  }
tec
execute0_lowered:
.L_overlay_start_1:
0x0: {  	(tag) =	ssettag $0x1  }
0x1: {  	s0 =	rddreg [dreg:$0x0];
	s13 =	stileid.u32  }
0x2: {  	s1 =	srdreg.scid;
	s3 =	rddreg [dreg:$0x2]  }
0x3: {  	s4 =	rddreg [dreg:$0x3];
	s5 =	simm.s32 $0x0;
	s15 =	simm.s32 $0x5  }
0x4: {  	s17 =	simm.s32 $0xB000;
	s19 =	simm.s32 $0x80;
	s22 =	simm.s32 $0x1  }
0x5: {  	s23 =	simm.s32 $0x7000;
	s24 =	simm.s32 $0x2;
	s28 =	simm.s32 $0x4  }
0x6: {  	s29 =	simm.s32 $0x0;
	s1 =	sand.u32 $0x1, s1;
	s7 =	smul.u32 $0x4E20, s13  }
0x7: {  	s2 =	sshll.u32 s13, $0x1;
	s9 =	smul.u32 $0x9E00, s13;
	[smem:$0x7FF] =	sst s5  }
0x8: {  	s30 =	sshll.u32 s13, $0x6;
	s2 =	sor.u32 s1, s2;
	s8 =	smul.u32 $0x9E000, s1  }
0x9: {  	_ =	strace $0x80000047;
	s1 =	ssub.s32 $0x2, s1;
	s6 =	smul.u32 $0x500, s2  }
0xa: {  	s10 =	sshrl.u32 s7, $0x3;
	s2 =	smul.u32 $0x4F0, s2;
	s26 =	sshrl.u32 s1, $0x1  }
0xb: {  	s14 =	sadd.s32 s7, s3;
	s31 =	sadd.s32 s9, s4;
	s10 =	sadd.s32 s10, s0  }
0xc: {  	s25 =	sadd.s32 s9, s8;
	s1 =	ssub.s32 s1, s26;
	s14 =	sshrl.u32 s14, $0x3  }
0xd: {  	s16 =	sshrl.u32 s31, $0x3;
	s26 =	simm.s32 $0x3;
	s11 =	sadd.s32 s6, s0  }
0xe: {  	s8 =	sshrl.u32 s25, $0x3;
	s6 =	sadd.s32 $0x1E000, s0;
	s7 =	sadd.s32 $0x200, s10  }
0xf: {  	s13 =	smax.u32 s1, $0x1;
	s25 =	simm.s32 $0x9000;
	s12 =	sadd.s32 s8, s0  }
0x10: {  	s0 =	sadd.s32 s2, s0;
	s8 =	sor.u32 $0x1C05, s30;
	s9 =	sadd.s32 $0x14000, s11  }
0x11: {  	v0 =	vimm.f32 $1.000000000e+00;
	s10 =	sadd.s32 $0xA000, s11;
	s11 =	sadd.s32 $0x1F400, s12;
	s12 =	sadd.s32 $0x46C00, s0  }
.LBB2_1:
0x12: {  	[spmem:s14], [sflag:s8] =	dma.local [hbm:s7], $0x9C4  }
0x13: {  	_ =	swait.ge [sflag:s15], $0x9C4  }
0x14: {  	[sflag:s15] =	ssyncset.done $0x0  }
0x15: {  	[sflag:s15] =	ssyncadd.s32 $0xFFFFF63C  }
0x16: {  	[spmem:s16], [sflag:s8] =	dma.local [hbm:s6], $0x13C0  }
0x17: {  	_ =	swait.ge [sflag:s15], $0x13C0  }
0x18: {  	[sflag:s15] =	ssyncset.done $0x0  }
0x19: {  	[sflag:s15] =	ssyncadd.s32 $0xFFFFEC40  }
0x1a: {  	s0 =	rddreg [dreg:$0x1]  }
0x1b: {  	[tilespmem:s17], [sflag:$0x5] =	stream.linear.gather [hbm4b:s0+s5], $0x2780, $0x38;
	[tilespmem:$0x1C3A0] =	vst v63  }
0x1c: {  	_ =	swait.ge [sflag:s15], $0x2780  }
0x1d: {  	[sflag:s15] =	ssyncset.done $0x0  }
0x1e: {  	[sflag:s15] =	ssyncadd.s32 $0xFFFFD880  }
0x1f: {  	[tilespmem:s5], [sflag:$0x5] =	stream.linear.gather [hbm4b:s9+s5], $0x2800, $0x38;
	[tilespmem:$0x1C3A0] =	vst v63  }
0x20: {  	_ =	swait.ge [sflag:s15], $0x2800  }
0x21: {  	[sflag:s15] =	ssyncset.done $0x0  }
0x22: {  	s20 =	simm.s32 $0x2800;
	[sflag:s15] =	ssyncadd.s32 $0xFFFFD800  }
0x23: {  	[tilespmem:s20], [sflag:$0x5] =	stream.linear.gather [hbm4b:s10+s5], $0x2800, $0x38;
	[tilespmem:$0x1C3A0] =	vst v63  }
0x24: {  	_ =	swait.ge [sflag:s15], $0x2800  }
0x25: {  	[sflag:s15] =	ssyncset.done $0x0  }
0x26: {  	[sflag:s15] =	ssyncadd.s32 $0xFFFFD800  }
0x27: {  	s21 =	simm.s32 $0x5000;
	[bflag:$0x0] =	sbarrier.arrive $0xFFFF  }
0x28: {  	[tilespmem:s21], [sflag:$0x1] =	stream.indirect.gather [spmem:s3], $0x20, s5, s19, $0xb8;
	[tilespmem:$0x1C3A0] =	vst v63  }
0x29: {  	s31 =	simm.s32 $0x6000;
	s30 =	simm.s32 $0x0  }
0x2a: {  	[tilespmem:s31], [sflag:$0x2] =	stream.indirect.gather [spmem:s3], $0x20, s19, s19, $0xb8;
	[tilespmem:$0x1C3A0] =	vst v63  }
.LBB2_2:
0x2b: {  	p1 =	seq.s32 s30, $0x0  }
0x2c: {  	s0 =	simm.s32 @!p1 $0x3  }
0x2d: {  	_ =	swait.ge @!p1 [sflag:s0], $0x2000  }
0x2e: {  	[sflag:s0] =	ssyncset.done @!p1 $0x0  }
0x2f: {  	[sflag:s0] =	ssyncadd.s32 @!p1 $0xFFFFE000  }
0x30: {  	_ =	swait.ge [sflag:s22], $0x1000  }
0x31: {  	[sflag:s22] =	ssyncset.done $0x0  }
0x32: {  	s0 =	simm.s32 $0x0;
	[sflag:s22] =	ssyncadd.s32 $0xFFFFF000  }
0x33: {  	v1 =	vld [tilespmem:s0+$0x5000];
	_ =	sdelay $0x4  }
0x34: {  	s31 =	simm.s32 $0x7080;
	v2 =	vshll.u32 v1, $0x10  }
0x35: {  	v1 =	vand.u32 $0xFFFF0000, v1;
	[tilespmem:s31+$0xFFFFFF80] =	vst v2  }
0x36: {  	[tilespmem:s31+$0xFFFFFF90] =	vst v1  }
0x37: {  	v1 =	vld [tilespmem:s0+$0x5010];
	_ =	sdelay $0x4  }
0x38: {  	v2 =	vshll.u32 v1, $0x10  }
0x39: {  	v1 =	vand.u32 $0xFFFF0000, v1;
	[tilespmem:s31+$0xFFFFFFA0] =	vst v2  }
0x3a: {  	[tilespmem:s31+$0xFFFFFFB0] =	vst v1  }
0x3b: {  	v1 =	vld [tilespmem:s0+$0x5020];
	_ =	sdelay $0x4  }
0x3c: {  	v2 =	vshll.u32 v1, $0x10  }
0x3d: {  	v1 =	vand.u32 $0xFFFF0000, v1;
	[tilespmem:s31+$0xFFFFFFC0] =	vst v2  }
0x3e: {  	[tilespmem:s31+$0xFFFFFFD0] =	vst v1  }
0x3f: {  	v1 =	vld [tilespmem:s0+$0x5030];
	_ =	sdelay $0x4  }
0x40: {  	v2 =	vshll.u32 v1, $0x10  }
0x41: {  	v1 =	vand.u32 $0xFFFF0000, v1;
	[tilespmem:s31+$0xFFFFFFE0] =	vst v2  }
0x42: {  	[tilespmem:s31+$0xFFFFFFF0] =	vst v1  }
0x43: {  	v1 =	vld [tilespmem:s0+$0x5040];
	_ =	sdelay $0x4  }
0x44: {  	v2 =	vshll.u32 v1, $0x10  }
0x45: {  	v1 =	vand.u32 $0xFFFF0000, v1;
	[tilespmem:s31+$0x0] =	vst v2  }
0x46: {  	[tilespmem:s31+$0x10] =	vst v1  }
0x47: {  	v1 =	vld [tilespmem:s0+$0x5050];
	_ =	sdelay $0x4  }
0x48: {  	v2 =	vshll.u32 v1, $0x10  }
0x49: {  	v1 =	vand.u32 $0xFFFF0000, v1;
	[tilespmem:s31+$0x20] =	vst v2  }
0x4a: {  	[tilespmem:s31+$0x30] =	vst v1  }
0x4b: {  	v1 =	vld [tilespmem:s0+$0x5060];
	_ =	sdelay $0x4  }
0x4c: {  	v2 =	vshll.u32 v1, $0x10  }
0x4d: {  	s1 =	simm.s32 $0x200;
	s2 =	simm.s32 $0x7080;
	v1 =	vand.u32 $0xFFFF0000, v1;
	[tilespmem:s31+$0x40] =	vst v2  }
.LBB2_3:
0x4e: {  	p0 =	sne.s32 s1, $0x3E00  }
0x4f: {  	[tilespmem:s31+$0x50] =	vst v1;
	s2 =	sadd.s32 $0x100, s2;
	s18 =	smov.u32 s1;
	s1 =	sadd.s32 $0x200, s1  }
0x50: {  	v1 =	vld [tilespmem:s0+$0x5070];
	_ =	sdelay $0x4  }
0x51: {  	v2 =	vshll.u32 v1, $0x10;
	v1 =	vand.u32 $0xFFFF0000, v1  }
0x52: {  	[tilespmem:s31+$0x60] =	vst v2  }
0x53: {  	s0 =	sshra.s32 s18, $0x2;
	[tilespmem:s31+$0x70] =	vst v1;
	s31 =	smov.u32 s2  }
0x54: {  	v1 =	vld [tilespmem:s0+$0x5000];
	_ =	sdelay $0x4  }
0x55: {  	v2 =	vshll.u32 v1, $0x10;
	v1 =	vand.u32 $0xFFFF0000, v1  }
0x56: {  	[tilespmem:s2+$0xFFFFFF80] =	vst v2  }
0x57: {  	[tilespmem:s2+$0xFFFFFF90] =	vst v1  }
0x58: {  	v1 =	vld [tilespmem:s0+$0x5010];
	_ =	sdelay $0x4  }
0x59: {  	v2 =	vshll.u32 v1, $0x10;
	v1 =	vand.u32 $0xFFFF0000, v1  }
0x5a: {  	[tilespmem:s2+$0xFFFFFFA0] =	vst v2  }
0x5b: {  	[tilespmem:s2+$0xFFFFFFB0] =	vst v1  }
0x5c: {  	v1 =	vld [tilespmem:s0+$0x5020];
	_ =	sdelay $0x4  }
0x5d: {  	v2 =	vshll.u32 v1, $0x10;
	v1 =	vand.u32 $0xFFFF0000, v1  }
0x5e: {  	[tilespmem:s2+$0xFFFFFFC0] =	vst v2  }
0x5f: {  	[tilespmem:s2+$0xFFFFFFD0] =	vst v1  }
0x60: {  	v1 =	vld [tilespmem:s0+$0x5030];
	_ =	sdelay $0x4  }
0x61: {  	v2 =	vshll.u32 v1, $0x10;
	v1 =	vand.u32 $0xFFFF0000, v1  }
0x62: {  	[tilespmem:s2+$0xFFFFFFE0] =	vst v2  }
0x63: {  	[tilespmem:s2+$0xFFFFFFF0] =	vst v1  }
0x64: {  	v1 =	vld [tilespmem:s0+$0x5040];
	_ =	sdelay $0x4  }
0x65: {  	v2 =	vshll.u32 v1, $0x10;
	v1 =	vand.u32 $0xFFFF0000, v1  }
0x66: {  	[tilespmem:s2+$0x0] =	vst v2  }
0x67: {  	[tilespmem:s2+$0x10] =	vst v1  }
0x68: {  	v1 =	vld [tilespmem:s0+$0x5050];
	_ =	sdelay $0x4  }
0x69: {  	v2 =	vshll.u32 v1, $0x10;
	v1 =	vand.u32 $0xFFFF0000, v1  }
0x6a: {  	[tilespmem:s2+$0x20] =	vst v2  }
0x6b: {  	[tilespmem:s2+$0x30] =	vst v1  }
0x6c: {  	v1 =	vld [tilespmem:s0+$0x5060];
	_ =	sdelay $0x1  }
.Ltmp0:
0x6d: {  	(pc) =	sbr.rel @p0 .LBB2_3-.Ltmp0, $3  }
0x6e: {  	_ =	sdelay $0x1  }
0x6f: {  	v2 =	vshll.u32 v1, $0x10;
	v1 =	vand.u32 $0xFFFF0000, v1  }
0x70: {  	[tilespmem:s2+$0x40] =	vst v2  }
0x71: {  	[tilespmem:s31+$0x50] =	vst v1  }
0x72: {  	v1 =	vld [tilespmem:s0+$0x5070];
	_ =	sdelay $0x3  }
0x73: {  	p0 =	seq.s32 s30, $0x27  }
0x74: {  	s2 =	sshll.u32 @!p0 s30, $0xA;
	v2 =	vshll.u32 v1, $0x10  }
0x75: {  	s1 =	simm.s32 @!p0 $0x80;
	s0 =	sshrl.u32 @!p0 s2, $0x2;
	s2 =	simm.s32 @p0 $0x9C00;
	v1 =	vand.u32 $0xFFFF0000, v1;
	[tilespmem:s31+$0x60] =	vst v2  }
0x76: {  	s18 =	simm.s32 @!p0 $0x5000;
	s0 =	sadd.s32 @!p0 $0x100, s0;
	[tilespmem:s31+$0x70] =	vst v1;
	s31 =	sshrl.u32 s2, $0x2  }
0x77: {  	[tilespmem:s18], [sflag:$0x1] =	stream.indirect.gather @!p0 [spmem:s3], $0x20, s0, s1, $0xb8;
	[tilespmem:$0x1C3A0] =	vst v63  }
0x78: {  	s21 =	sadd.s32 $0x2800, s31  }
0x79: {  	[spmem:s4] =	stream.indirect.scatter.add.f32 [tilespmem:s23], [sflag:$0x3], $0x40, s21, s19, $0xb8;
	[tilespmem:$0x1C3A0] =	vst v63  }
0x7a: {  	v1 =	vld [tilespmem:s31+$0x2800];
	_ =	sdelay $0x7  }
0x7b: {  	[tilespmem:v1+s17+$0x0] =	vst.idx.add.f32.msk $0xffff, v0  }
0x7c: {  	v1 =	vld [tilespmem:s31+$0x2810];
	_ =	sdelay $0x7  }
0x7d: {  	[tilespmem:v1+s17+$0x0] =	vst.idx.add.f32.msk $0xffff, v0  }
0x7e: {  	v1 =	vld [tilespmem:s31+$0x2820];
	_ =	sdelay $0x7  }
0x7f: {  	[tilespmem:v1+s17+$0x0] =	vst.idx.add.f32.msk $0xffff, v0  }
0x80: {  	v1 =	vld [tilespmem:s31+$0x2830];
	_ =	sdelay $0x7  }
0x81: {  	[tilespmem:v1+s17+$0x0] =	vst.idx.add.f32.msk $0xffff, v0  }
0x82: {  	v1 =	vld [tilespmem:s31+$0x2840];
	_ =	sdelay $0x7  }
0x83: {  	[tilespmem:v1+s17+$0x0] =	vst.idx.add.f32.msk $0xffff, v0  }
0x84: {  	v1 =	vld [tilespmem:s31+$0x2850];
	_ =	sdelay $0x7  }
0x85: {  	[tilespmem:v1+s17+$0x0] =	vst.idx.add.f32.msk $0xffff, v0  }
0x86: {  	v1 =	vld [tilespmem:s31+$0x2860];
	_ =	sdelay $0x7  }
0x87: {  	[tilespmem:v1+s17+$0x0] =	vst.idx.add.f32.msk $0xffff, v0  }
0x88: {  	v1 =	vld [tilespmem:s31+$0x2870];
	_ =	sdelay $0x7  }
0x89: {  	s0 =	simm.s32 @!p1 $0x4;
	[tilespmem:v1+s17+$0x0] =	vst.idx.add.f32.msk $0xffff, v0  }
0x8a: {  	_ =	swait.ge @!p1 [sflag:s0], $0x2000  }
0x8b: {  	[sflag:s0] =	ssyncset.done @!p1 $0x0  }
0x8c: {  	[sflag:s0] =	ssyncadd.s32 @!p1 $0xFFFFE000  }
0x8d: {  	_ =	swait.ge [sflag:s24], $0x1000  }
0x8e: {  	[sflag:s24] =	ssyncset.done $0x0  }
0x8f: {  	s1 =	simm.s32 $0x0;
	[sflag:s24] =	ssyncadd.s32 $0xFFFFF000  }
0x90: {  	v1 =	vld [tilespmem:s1+$0x6000];
	_ =	sdelay $0x4  }
0x91: {  	s0 =	simm.s32 $0x9080;
	v2 =	vshll.u32 v1, $0x10  }
0x92: {  	v1 =	vand.u32 $0xFFFF0000, v1;
	[tilespmem:s0+$0xFFFFFF80] =	vst v2  }
0x93: {  	[tilespmem:s0+$0xFFFFFF90] =	vst v1  }
0x94: {  	v1 =	vld [tilespmem:s1+$0x6010];
	_ =	sdelay $0x4  }
0x95: {  	v2 =	vshll.u32 v1, $0x10  }
0x96: {  	v1 =	vand.u32 $0xFFFF0000, v1;
	[tilespmem:s0+$0xFFFFFFA0] =	vst v2  }
0x97: {  	[tilespmem:s0+$0xFFFFFFB0] =	vst v1  }
0x98: {  	v1 =	vld [tilespmem:s1+$0x6020];
	_ =	sdelay $0x4  }
0x99: {  	v2 =	vshll.u32 v1, $0x10  }
0x9a: {  	v1 =	vand.u32 $0xFFFF0000, v1;
	[tilespmem:s0+$0xFFFFFFC0] =	vst v2  }
0x9b: {  	[tilespmem:s0+$0xFFFFFFD0] =	vst v1  }
0x9c: {  	v1 =	vld [tilespmem:s1+$0x6030];
	_ =	sdelay $0x4  }
0x9d: {  	v2 =	vshll.u32 v1, $0x10  }
0x9e: {  	v1 =	vand.u32 $0xFFFF0000, v1;
	[tilespmem:s0+$0xFFFFFFE0] =	vst v2  }
0x9f: {  	[tilespmem:s0+$0xFFFFFFF0] =	vst v1  }
0xa0: {  	v1 =	vld [tilespmem:s1+$0x6040];
	_ =	sdelay $0x4  }
0xa1: {  	v2 =	vshll.u32 v1, $0x10  }
0xa2: {  	v1 =	vand.u32 $0xFFFF0000, v1;
	[tilespmem:s0+$0x0] =	vst v2  }
0xa3: {  	[tilespmem:s0+$0x10] =	vst v1  }
0xa4: {  	v1 =	vld [tilespmem:s1+$0x6050];
	_ =	sdelay $0x4  }
0xa5: {  	v2 =	vshll.u32 v1, $0x10  }
0xa6: {  	v1 =	vand.u32 $0xFFFF0000, v1;
	[tilespmem:s0+$0x20] =	vst v2  }
0xa7: {  	[tilespmem:s0+$0x30] =	vst v1  }
0xa8: {  	v1 =	vld [tilespmem:s1+$0x6060];
	_ =	sdelay $0x4  }
0xa9: {  	v2 =	vshll.u32 v1, $0x10  }
0xaa: {  	s20 =	simm.s32 $0x9080;
	s18 =	simm.s32 $0x200;
	v1 =	vand.u32 $0xFFFF0000, v1;
	[tilespmem:s0+$0x40] =	vst v2  }
.LBB2_5:
0xab: {  	p1 =	sne.s32 s18, $0x3E00  }
0xac: {  	[tilespmem:s0+$0x50] =	vst v1;
	s20 =	sadd.s32 $0x100, s20;
	s21 =	smov.u32 s18;
	s18 =	sadd.s32 $0x200, s18  }
0xad: {  	v1 =	vld [tilespmem:s1+$0x6070];
	_ =	sdelay $0x4  }
0xae: {  	v2 =	vshll.u32 v1, $0x10;
	v1 =	vand.u32 $0xFFFF0000, v1  }
0xaf: {  	[tilespmem:s0+$0x60] =	vst v2  }
0xb0: {  	s1 =	sshra.s32 s21, $0x2;
	[tilespmem:s0+$0x70] =	vst v1;
	s0 =	smov.u32 s20  }
0xb1: {  	v1 =	vld [tilespmem:s1+$0x6000];
	_ =	sdelay $0x4  }
0xb2: {  	v2 =	vshll.u32 v1, $0x10;
	v1 =	vand.u32 $0xFFFF0000, v1  }
0xb3: {  	[tilespmem:s20+$0xFFFFFF80] =	vst v2  }
0xb4: {  	[tilespmem:s20+$0xFFFFFF90] =	vst v1  }
0xb5: {  	v1 =	vld [tilespmem:s1+$0x6010];
	_ =	sdelay $0x4  }
0xb6: {  	v2 =	vshll.u32 v1, $0x10;
	v1 =	vand.u32 $0xFFFF0000, v1  }
0xb7: {  	[tilespmem:s20+$0xFFFFFFA0] =	vst v2  }
0xb8: {  	[tilespmem:s20+$0xFFFFFFB0] =	vst v1  }
0xb9: {  	v1 =	vld [tilespmem:s1+$0x6020];
	_ =	sdelay $0x4  }
0xba: {  	v2 =	vshll.u32 v1, $0x10;
	v1 =	vand.u32 $0xFFFF0000, v1  }
0xbb: {  	[tilespmem:s20+$0xFFFFFFC0] =	vst v2  }
0xbc: {  	[tilespmem:s20+$0xFFFFFFD0] =	vst v1  }
0xbd: {  	v1 =	vld [tilespmem:s1+$0x6030];
	_ =	sdelay $0x4  }
0xbe: {  	v2 =	vshll.u32 v1, $0x10;
	v1 =	vand.u32 $0xFFFF0000, v1  }
0xbf: {  	[tilespmem:s20+$0xFFFFFFE0] =	vst v2  }
0xc0: {  	[tilespmem:s20+$0xFFFFFFF0] =	vst v1  }
0xc1: {  	v1 =	vld [tilespmem:s1+$0x6040];
	_ =	sdelay $0x4  }
0xc2: {  	v2 =	vshll.u32 v1, $0x10;
	v1 =	vand.u32 $0xFFFF0000, v1  }
0xc3: {  	[tilespmem:s20+$0x0] =	vst v2  }
0xc4: {  	[tilespmem:s20+$0x10] =	vst v1  }
0xc5: {  	v1 =	vld [tilespmem:s1+$0x6050];
	_ =	sdelay $0x4  }
0xc6: {  	v2 =	vshll.u32 v1, $0x10;
	v1 =	vand.u32 $0xFFFF0000, v1  }
0xc7: {  	[tilespmem:s20+$0x20] =	vst v2  }
0xc8: {  	[tilespmem:s20+$0x30] =	vst v1  }
0xc9: {  	v1 =	vld [tilespmem:s1+$0x6060];
	_ =	sdelay $0x1  }
.Ltmp1:
0xca: {  	(pc) =	sbr.rel @p1 .LBB2_5-.Ltmp1, $3  }
0xcb: {  	_ =	sdelay $0x1  }
0xcc: {  	v2 =	vshll.u32 v1, $0x10;
	v1 =	vand.u32 $0xFFFF0000, v1  }
0xcd: {  	[tilespmem:s20+$0x40] =	vst v2  }
0xce: {  	[tilespmem:s0+$0x50] =	vst v1  }
0xcf: {  	v1 =	vld [tilespmem:s1+$0x6070];
	_ =	sdelay $0x4  }
0xd0: {  	v2 =	vshll.u32 v1, $0x10  }
0xd1: {  	s1 =	sshrl.u32 @!p0 s2, $0x2;
	v1 =	vand.u32 $0xFFFF0000, v1;
	[tilespmem:s0+$0x60] =	vst v2  }
0xd2: {  	s2 =	simm.s32 @!p0 $0x6000;
	[tilespmem:s0+$0x70] =	vst v1;
	s0 =	sadd.s32 @!p0 $0x180, s1;
	s1 =	simm.s32 @!p0 $0x80  }
0xd3: {  	[tilespmem:s2], [sflag:$0x2] =	stream.indirect.gather @!p0 [spmem:s3], $0x20, s0, s1, $0xb8;
	[tilespmem:$0x1C3A0] =	vst v63  }
0xd4: {  	s21 =	sadd.s32 $0x2880, s31  }
0xd5: {  	[spmem:s4] =	stream.indirect.scatter.add.f32 [tilespmem:s25], [sflag:$0x4], $0x40, s21, s19, $0xb8;
	[tilespmem:$0x1C3A0] =	vst v63  }
0xd6: {  	v1 =	vld [tilespmem:s31+$0x2880];
	_ =	sdelay $0x7  }
0xd7: {  	[tilespmem:v1+s17+$0x0] =	vst.idx.add.f32.msk $0xffff, v0  }
0xd8: {  	v1 =	vld [tilespmem:s31+$0x2890];
	_ =	sdelay $0x7  }
0xd9: {  	[tilespmem:v1+s17+$0x0] =	vst.idx.add.f32.msk $0xffff, v0  }
0xda: {  	v1 =	vld [tilespmem:s31+$0x28A0];
	_ =	sdelay $0x7  }
0xdb: {  	[tilespmem:v1+s17+$0x0] =	vst.idx.add.f32.msk $0xffff, v0  }
0xdc: {  	v1 =	vld [tilespmem:s31+$0x28B0];
	_ =	sdelay $0x7  }
0xdd: {  	[tilespmem:v1+s17+$0x0] =	vst.idx.add.f32.msk $0xffff, v0  }
0xde: {  	v1 =	vld [tilespmem:s31+$0x28C0];
	_ =	sdelay $0x7  }
0xdf: {  	[tilespmem:v1+s17+$0x0] =	vst.idx.add.f32.msk $0xffff, v0  }
0xe0: {  	v1 =	vld [tilespmem:s31+$0x28D0];
	_ =	sdelay $0x7  }
0xe1: {  	[tilespmem:v1+s17+$0x0] =	vst.idx.add.f32.msk $0xffff, v0  }
0xe2: {  	v1 =	vld [tilespmem:s31+$0x28E0];
	_ =	sdelay $0x7  }
0xe3: {  	[tilespmem:v1+s17+$0x0] =	vst.idx.add.f32.msk $0xffff, v0  }
0xe4: {  	v1 =	vld [tilespmem:s31+$0x28F0];
	_ =	sdelay $0x1  }
0xe5: {  	s30 =	sadd.s32 $0x1, s30  }
0xe6: {  	p0 =	sne.s32 s30, $0x28  }
.Ltmp2:
0xe7: {  	_ = 	snop;
	(pc) =	sbr.rel @p0 .LBB2_2-.Ltmp2, $2  }
0xe8: {  	_ =	sdelay $0x2  }
0xe9: {  	[tilespmem:v1+s17+$0x0] =	vst.idx.add.f32.msk $0xffff, v0  }
0xea: {  	_ =	swait.ge [sflag:s26], $0x2000  }
0xeb: {  	[sflag:s26] =	ssyncset.done $0x0  }
0xec: {  	[sflag:s26] =	ssyncadd.s32 $0xFFFFE000  }
0xed: {  	_ =	swait.ge [sflag:s28], $0x2000  }
0xee: {  	[sflag:s28] =	ssyncset.done $0x0  }
0xef: {  	[sflag:s28] =	ssyncadd.s32 $0xFFFFE000  }
0xf0: {  	[bflag:$0x0] =	sbarrier.arrive $0xFFFF  }
0xf1: {  	[hbm:s11], [sflag:s8] =	dma.local [spmem:s16], $0x13C0  }
0xf2: {  	s29 =	sadd.s32 $0x1, s29;
	_ =	swait.ge [sflag:s15], $0x13C0  }
0xf3: {  	p0 =	sne.s32 s29, s13;
	[sflag:s15] =	ssyncset.done $0x0  }
.Ltmp3:
0xf4: {  	[sflag:s15] =	ssyncadd.s32 $0xFFFFEC40;
	(pc) =	sbr.rel @p0 .LBB2_1-.Ltmp3, $4  }
0xf5: {  	[hbm4b:s12+s5] =	stream.linear.scatter [tilespmem:s17], [sflag:$0x5], $0x2780, $0x38;
	[tilespmem:$0x1C3A0] =	vst v63  }
0xf6: {  	_ =	swait.ge [sflag:s15], $0x2780  }
0xf7: {  	[sflag:s15] =	ssyncset.done $0x0  }
0xf8: {  	[sflag:s15] =	ssyncadd.s32 $0xFFFFD880  }
0xf9: {  	_ =	sfence.sel $0x180000  }
0xfa: {  	[bflag:$0x0] =	sbarrier.arrive $0xFFFF  }
0xfb: {  	_ =	strace $0x90000047  }
0xfc: {  	s0 =	stileid.u32;
	[bflag:$0x2] =	sbarrier.arrive $0xFFFF  }
0xfd: {  	p0 =	sne.s32 s0, $0x0;
	s0 =	rddreg [dreg:$0x4]  }
0xfe: {  	s0 =	sadd.s32 @!p0 $0x100000, s0  }
0xff: {  	[sflag:s0] =	ssyncadd.tile.s32 @!p0 $0x1;
	_ =	shalt  }
.Lfunc_end2:
_tile_overlayer_lowered:
.L_overlay_start_2:
0x100: {  	(tag) =	ssettag $0x2  }
0x101: {  	s0 =	rddreg [dreg:$0x0];
	s2 =	stileid.u32  }
0x102: {  	s1 =	rddreg [dreg:$0x1];
	p0 =	sne.s32 s2, $0x0  }
0x103: {  	s3 =	rddreg [dreg:$0x2];
	[bflag:$0x3] =	sbarrier.arrive $0xFFFF;
	s2 =	simm.s32 @!p0 $0x1C05  }
0x104: {  	[timem:s3], [sflag:s2] =	dma.local @!p0 [hbm:s0], s1  }
0x105: {  	s0 =	simm.s32 @!p0 $0x5  }
0x106: {  	_ =	swait.ge @!p0 [sflag:s0], s1  }
0x107: {  	s1 =	ssub.s32 @!p0 $0x0, s1;
	[sflag:s0] =	ssyncset.done @!p0 $0x0  }
0x108: {  	[sflag:s0] =	ssyncadd.s32 @!p0 s1  }
0x109: {  	[bflag:$0x3] =	sbarrier.arrive $0xFFFF  }
0x10a: {  	_ =	shalt  }

</sc_bundles>
